<compile_context>
chip_gen: v7x
topology: tpu7x:2x2x1
jax: 0.10.2.dev20260603
libtpu: 0.0.44.dev20260713+nightly
codegen_flags: <defaults>
</compile_context>

<pallas_src>
import math

import jax
import jax.numpy as jnp
import numpy as np
from jax import lax
from jax.experimental import pallas as pl
from jax.experimental.pallas import tpu as pltpu

_NC = 80
_NO = _NC + 5
_NP = 3072
_BAL = (4.0, 1.0, 0.4)
_H_GIOU, _H_OBJ, _H_CLS = 0.05, 1.0, 0.5
_EPS = 1e-9


def _softplus(x):
    return jnp.maximum(x, 0.0) + jnp.log(1.0 + jnp.exp(-jnp.abs(x)))


def _sigmoid(x):
    return 1.0 / (1.0 + jnp.exp(-x))


def _atan_pos(x):
    big = x > 2.414213562373095
    mid = x > 0.4142135623730951
    xr = jnp.where(big, -1.0 / jnp.maximum(x, 1e-30),
                   jnp.where(mid, (x - 1.0) / (x + 1.0), x))
    z = xr * xr
    y = ((((8.05374449538e-2 * z - 1.38776856032e-1) * z + 1.99777106478e-1) * z
          - 3.33329491539e-1) * z) * xr + xr
    return jnp.where(big, math.pi / 2 + y, jnp.where(mid, math.pi / 4 + y, y))



_CELLS = (196608, 49152, 12288)
_WH = (64.0, 32.0, 16.0)


def _sel3(i, v0, v1, v2):
    return jnp.where(i == 0, v0, jnp.where(i == 1, v1, v2))


def _tb_kernel(t_ref, anc_ref, at_ref, aux_ref, rows_ref, scat_ref):
    i = pl.program_id(0)
    wf = _sel3(i, _WH[0], _WH[1], _WH[2])
    wi = _sel3(i, 64, 32, 16)
    cells = _sel3(i, _CELLS[0], _CELLS[1], _CELLS[2])
    at_f = at_ref[0]

    img = t_ref[:, 0:1]
    cls = t_ref[:, 1:2]
    x = t_ref[:, 2:3] * wf
    y = t_ref[:, 3:4] * wf
    w = t_ref[:, 4:5] * wf
    h = t_ref[:, 5:6] * wf
    a_id = t_ref[:, 6:7]
    o_id = t_ref[:, 7:8]

    aw = _sel3(a_id, anc_ref[i, 0, 0], anc_ref[i, 1, 0], anc_ref[i, 2, 0])
    ah = _sel3(a_id, anc_ref[i, 0, 1], anc_ref[i, 1, 1], anc_ref[i, 2, 1])
    rw = w / aw
    rh = h / ah
    rmax = jnp.maximum(jnp.maximum(rw, 1.0 / rw), jnp.maximum(rh, 1.0 / rh))
    m0 = rmax < at_f

    one = jnp.ones_like(x)
    zero = jnp.zeros_like(x)
    jkx = jnp.where((x % 1.0 < 0.5) & (x > 1.0), one, zero)
    jky = jnp.where((y % 1.0 < 0.5) & (y > 1.0), one, zero)
    lmx = jnp.where(((wf - x) % 1.0 < 0.5) & ((wf - x) > 1.0), one, zero)
    lmy = jnp.where(((wf - y) % 1.0 < 0.5) & ((wf - y) > 1.0), one, zero)
    msel = jnp.where(o_id == 0, one,
             jnp.where(o_id == 1, jkx,
               jnp.where(o_id == 2, jky,
                 jnp.where(o_id == 3, lmx,
                   jnp.where(o_id == 4, lmy, zero)))))
    mask = msel * jnp.where(m0, one, zero)

    offx = jnp.where(o_id == 1, 0.5, jnp.where(o_id == 3, -0.5, 0.0))
    offy = jnp.where(o_id == 2, 0.5, jnp.where(o_id == 4, -0.5, 0.0))
    gi = jnp.clip((x - offx).astype(jnp.int32), 0, wi - 1)
    gj = jnp.clip((y - offy).astype(jnp.int32), 0, wi - 1)
    b = img.astype(jnp.int32)
    a = a_id.astype(jnp.int32)
    rows = ((b * 3 + a) * wi + gj) * wi + gi
    celloff = _sel3(i, 0, _CELLS[0], _CELLS[0] + _CELLS[1])
    scat = jnp.where(mask > 0.0, rows + celloff, _CELLS[0] + _CELLS[1] + _CELLS[2])

    aux_ref[:, 0:1] = x - gi.astype(jnp.float32)
    aux_ref[:, 1:2] = y - gj.astype(jnp.float32)
    aux_ref[:, 2:3] = w
    aux_ref[:, 3:4] = h
    aux_ref[:, 4:5] = aw
    aux_ref[:, 5:6] = ah
    aux_ref[:, 6:7] = mask
    aux_ref[:, 7:8] = cls
    rows_ref[...] = rows
    scat_ref[...] = scat






def _entry_kernel(ps_ref, aux_ref, w_ref, gr_ref, sums_ref):
    ps = ps_ref[...]
    tbx = aux_ref[:, 0:1]
    tby = aux_ref[:, 1:2]
    tbw = aux_ref[:, 2:3]
    tbh = aux_ref[:, 3:4]
    anw = aux_ref[:, 4:5]
    anh = aux_ref[:, 5:6]
    mf = aux_ref[:, 6:7]
    tcl = aux_ref[:, 7:8]
    gr = gr_ref[0]

    px = _sigmoid(ps[:, 0:1]) * 2.0 - 0.5
    py = _sigmoid(ps[:, 1:2]) * 2.0 - 0.5
    pw = (_sigmoid(ps[:, 2:3]) * 2.0) ** 2 * anw
    ph = (_sigmoid(ps[:, 3:4]) * 2.0) ** 2 * anh

    b1x1, b1x2 = px - pw * 0.5, px + pw * 0.5
    b1y1, b1y2 = py - ph * 0.5, py + ph * 0.5
    b2x1, b2x2 = tbx - tbw * 0.5, tbx + tbw * 0.5
    b2y1, b2y2 = tby - tbh * 0.5, tby + tbh * 0.5
    inter = jnp.clip(jnp.minimum(b1x2, b2x2) - jnp.maximum(b1x1, b2x1), 0.0, None) * \
            jnp.clip(jnp.minimum(b1y2, b2y2) - jnp.maximum(b1y1, b2y1), 0.0, None)
    union = pw * ph + tbw * tbh - inter + _EPS
    iou = inter / union
    cw = jnp.maximum(b1x2, b2x2) - jnp.minimum(b1x1, b2x1)
    ch = jnp.maximum(b1y2, b2y2) - jnp.minimum(b1y1, b2y1)
    c2 = cw ** 2 + ch ** 2 + _EPS
    rho2 = ((b2x1 + b2x2 - b1x1 - b1x2) ** 2 + (b2y1 + b2y2 - b1y1 - b1y2) ** 2) / 4.0
    v = (4.0 / math.pi ** 2) * (_atan_pos(tbw / (tbh + _EPS)) - _atan_pos(pw / (ph + _EPS))) ** 2
    alpha = v / (1.0 - iou + v + _EPS)
    giou = iou - (rho2 / c2 + v * alpha)

    lbox_sum = jnp.sum(mf * (1.0 - giou))
    objt = (1.0 - gr) + gr * jnp.clip(giou, 0.0, None)

    winner = (w_ref[...] > 0.0) & (mf > 0.0)
    corr_sum = jnp.sum(jnp.where(winner, objt * ps[:, 4:5], 0.0))

    xc = ps[:, 5:_NO]
    lane = jax.lax.broadcasted_iota(jnp.int32, (xc.shape[0], _NC), 1)
    x_true = jnp.sum(jnp.where(lane == tcl.astype(jnp.int32), xc, 0.0), axis=1, keepdims=True)
    row_elem = jnp.sum(_softplus(xc), axis=1, keepdims=True) - x_true
    lcls_sum = jnp.sum(mf * row_elem)
    cnt = jnp.sum(mf)

    sums_ref[0, 0, 0] = lbox_sum
    sums_ref[0, 0, 1] = lcls_sum
    sums_ref[0, 0, 2] = cnt
    sums_ref[0, 0, 3] = corr_sum




def _obj_sp_kernel(p_ref, out_ref):
    x = p_ref[:, 4:5]
    partial = jnp.sum(_softplus(x))

    @pl.when(pl.program_id(0) == 0)
    def _init():
        out_ref[0] = 0.0

    out_ref[0] += partial


def kernel(p0, p1, p2, targets, anchors, anchor_t, gr):
    preds = [p0, p1, p2]
    cells_l = list(_CELLS)
    gr_f = jnp.asarray(gr, dtype=jnp.float32).reshape(1)
    at_f = jnp.asarray(anchor_t, dtype=jnp.float32).reshape(1)

    nt = targets.shape[0]
    reps = -(-_NP // (3 * nt))
    a_o = np.zeros((_NP, 2), dtype=np.float32)
    j = np.arange(_NP)
    a_o[:, 0] = (j // nt) % 3
    a_o[:, 1] = np.where(j < 5 * 3 * nt, np.minimum(j // (3 * nt), 4), 5)
    t_full = jnp.concatenate([
        jnp.tile(targets, (3 * reps, 1))[:_NP],
        jnp.asarray(a_o),
    ], axis=1)

    accs = []
    for i, pi in enumerate(preds):
        cells = cells_l[i]
        rb = {0: 16384, 1: 16384, 2: 12288}[i]
        accs.append(pl.pallas_call(
            _obj_sp_kernel,
            grid=(cells // rb,),
            in_specs=[pl.BlockSpec((rb, _NO), lambda k: (k, 0))],
            out_specs=pl.BlockSpec(memory_space=pltpu.SMEM),
            out_shape=jax.ShapeDtypeStruct((1,), jnp.float32),
        )(pi.reshape(cells, _NO)))

    aux_all, rows_all, scat_all = pl.pallas_call(
        _tb_kernel,
        grid=(3,),
        in_specs=[
            pl.BlockSpec((_NP, 8), lambda i: (0, 0)),
            pl.BlockSpec(memory_space=pltpu.SMEM),
            pl.BlockSpec(memory_space=pltpu.SMEM),
        ],
        out_specs=[
            pl.BlockSpec((_NP, 8), lambda i: (i, 0)),
            pl.BlockSpec((_NP, 1), lambda i: (i, 0)),
            pl.BlockSpec((_NP, 1), lambda i: (i, 0)),
        ],
        out_shape=[
            jax.ShapeDtypeStruct((3 * _NP, 8), jnp.float32),
            jax.ShapeDtypeStruct((3 * _NP, 1), jnp.int32),
            jax.ShapeDtypeStruct((3 * _NP, 1), jnp.int32),
        ],
    )(t_full, anchors, at_f)

    key = scat_all.reshape(3 * _NP)
    eids = jnp.arange(3 * _NP, dtype=jnp.int32)
    ordm = jnp.zeros((sum(_CELLS) + 3,), jnp.int32).at[key].set(eids)
    win_all = (ordm[key] == eids).astype(jnp.float32)
    ps_levels = []
    for i, pi in enumerate(preds):
        flat = pi.reshape(cells_l[i], _NO)
        rows_i = rows_all[i * _NP:(i + 1) * _NP, 0]
        ps_levels.append(flat[rows_i])
    ps_all = jnp.concatenate(ps_levels, axis=0)

    sums = pl.pallas_call(
        _entry_kernel,
        grid=(3,),
        in_specs=[
            pl.BlockSpec((_NP, _NO), lambda i: (i, 0)),
            pl.BlockSpec((_NP, 8), lambda i: (i, 0)),
            pl.BlockSpec((_NP, 1), lambda i: (i, 0)),
            pl.BlockSpec(memory_space=pltpu.SMEM),
        ],
        out_specs=pl.BlockSpec((1, 1, 4), lambda i: (i, 0, 0), memory_space=pltpu.SMEM),
        out_shape=jax.ShapeDtypeStruct((3, 1, 4), jnp.float32),
    )(ps_all, aux_all, win_all.reshape(3 * _NP, 1), gr_f)

    lbox = jnp.zeros((1,), jnp.float32)
    lcls = jnp.zeros((1,), jnp.float32)
    lobj = jnp.zeros((1,), jnp.float32)
    for i, pi in enumerate(preds):
        cells = cells_l[i]
        acc = accs[i]
        cnt = sums[i, 0, 2]
        lbox += jnp.where(cnt > 0, sums[i, 0, 0] / cnt, 0.0)
        lcls += jnp.where(cnt > 0, sums[i, 0, 1] / (cnt * _NC), 0.0)
        lobj += (acc - sums[i, 0, 3]) * (_BAL[i] / cells)

    s = 3.0 / len(preds)
    lbox = lbox * _H_GIOU * s
    lobj = lobj * _H_OBJ * s
    lcls = lcls * _H_CLS * s
    bs = preds[-1].shape[0]
    loss = lbox + lobj + lcls
    return (loss * bs, jax.lax.stop_gradient(jnp.concatenate((lbox, lobj, lcls, loss))))

# --- scband reference (transcript-rebuilt; emitter-appended) ---
"""Pipeline reference for scband-free-loss-3788161155570 (READ-ONLY COPY).

The authoritative reference and input builder live on the scoring server;
editing this copy changes nothing except your own understanding.
"""

import jax, jax.numpy as jnp
import numpy as np
import math

NC = 80
HYP = {'cls_pw': 1.0, 'obj_pw': 1.0, 'fl_gamma': 0.0, 'giou': 0.05, 'obj': 1.0, 'cls': 0.5}


def setup_inputs(seed: int = 0):
    key = jax.random.key(seed)
    ks = jax.random.split(key, 8)
    B, na, no = 16, 3, NC + 5
    p0 = jax.random.normal(ks[0], (B, na, 64, 64, no), dtype=jnp.float32)
    p1 = jax.random.normal(ks[1], (B, na, 32, 32, no), dtype=jnp.float32)
    p2 = jax.random.normal(ks[2], (B, na, 16, 16, no), dtype=jnp.float32)
    nt = 200
    img = jax.random.randint(ks[3], (nt,), 0, B).astype(jnp.float32)
    cls = jax.random.randint(ks[4], (nt,), 0, NC).astype(jnp.float32)
    xy = jax.random.uniform(ks[5], (nt, 2), minval=0.05, maxval=0.95, dtype=jnp.float32)
    wh = jax.random.uniform(ks[6], (nt, 2), minval=0.02, maxval=0.30, dtype=jnp.float32)
    targets = jnp.concatenate([img[:, None], cls[:, None], xy, wh], axis=1)
    anchors = jax.random.uniform(ks[7], (3, 3, 2), minval=1.0, maxval=4.0, dtype=jnp.float32)
    return {'p0': p0, 'p1': p1, 'p2': p2, 'targets': targets, 'anchors': anchors, 'anchor_t': 4, 'gr': 1}


def build_targets_np(pshapes, targets, anchors, anchor_t):
    na, nt = anchors.shape[1], targets.shape[0]
    tcls, tbox, indices, anch, masks = [], [], [], [], []
    ai = jnp.tile(jnp.arange(na, dtype=jnp.float32).reshape(na, 1), (1, nt))
    t_all = jnp.concatenate((jnp.tile(targets[None], (na, 1, 1)), ai[:, :, None]), axis=2)
    g = 0.5
    off = jnp.array([[0, 0], [1, 0], [0, 1], [-1, 0], [0, -1]], dtype=jnp.float32) * g
    anchor_t_f = jnp.asarray(anchor_t, dtype=jnp.float32)
    for i in range(len(pshapes)):
        anc = anchors[i]
        gain = np.ones(7, dtype=np.float32)
        gain[2:6] = np.array(pshapes[i], dtype=np.float32)[[3, 2, 3, 2]]
        gain_j = jnp.asarray(gain)
        t = t_all * gain_j
        r = t[:, :, 4:6] / anc[:, None, :]
        jmask0 = jnp.max(jnp.maximum(r, 1.0 / r), axis=2) < anchor_t_f
        tf = t.reshape(na * nt, 7)
        m0 = jmask0.reshape(na * nt)
        gxy = tf[:, 2:4]
        gxi = gain_j[2:4] - gxy
        jk = (gxy % 1.0 < g) & (gxy > 1.0)
        lm = (gxi % 1.0 < g) & (gxi > 1.0)
        jmask = jnp.stack((jnp.ones(na * nt, dtype=bool), jk[:, 0], jk[:, 1], lm[:, 0], lm[:, 1])) & m0[None]
        tt = jnp.broadcast_to(tf[None], (5, na * nt, 7)).reshape(5 * na * nt, 7)
        offsets = jnp.broadcast_to(off[:, None, :], (5, na * nt, 2)).reshape(5 * na * nt, 2)
        m = jmask.reshape(5 * na * nt)
        b = tt[:, 0].astype(jnp.int32)
        c = tt[:, 1].astype(jnp.int32)
        gxy2 = tt[:, 2:4]
        gwh = tt[:, 4:6]
        gij = (gxy2 - offsets).astype(jnp.int32)
        gij = jnp.stack([jnp.clip(gij[:, 0], 0, int(gain[2]) - 1),
                         jnp.clip(gij[:, 1], 0, int(gain[3]) - 1)], axis=1)
        gi, gj = gij[:, 0], gij[:, 1]
        a = tt[:, 6].astype(jnp.int32)
        indices.append((b, a, gj, gi))
        tbox.append(jnp.concatenate((gxy2 - gij.astype(jnp.float32), gwh), axis=1))
        anch.append(anc[a])
        tcls.append(c)
        masks.append(m)
    return tcls, tbox, indices, anch, masks


def bce_logits(x, t, pw):
    ls = jax.nn.log_sigmoid(x)
    lsn = jax.nn.log_sigmoid(-x)
    return jnp.mean(-(pw * t * ls + (1.0 - t) * lsn))


def bce_logits_masked(x, t, pw, mask, count):
    ls = jax.nn.log_sigmoid(x)
    lsn = jax.nn.log_sigmoid(-x)
    elem = -(pw * t * ls + (1.0 - t) * lsn)
    total = jnp.sum(elem * mask[:, None])
    denom = count * x.shape[1]
    return jnp.where(count > 0, total / denom, 0.0)


def bbox_iou_ciou(box1, box2, eps=1e-9):
    # box1: (4, n) xywh, box2: (n, 4) xywh
    box2 = box2.T
    b1_x1, b1_x2 = box1[0] - box1[2] / 2, box1[0] + box1[2] / 2
    b1_y1, b1_y2 = box1[1] - box1[3] / 2, box1[1] + box1[3] / 2
    b2_x1, b2_x2 = box2[0] - box2[2] / 2, box2[0] + box2[2] / 2
    b2_y1, b2_y2 = box2[1] - box2[3] / 2, box2[1] + box2[3] / 2
    inter = jnp.clip(jnp.minimum(b1_x2, b2_x2) - jnp.maximum(b1_x1, b2_x1), 0.0, None) * \
            jnp.clip(jnp.minimum(b1_y2, b2_y2) - jnp.maximum(b1_y1, b2_y1), 0.0, None)
    w1, h1 = b1_x2 - b1_x1, b1_y2 - b1_y1
    w2, h2 = b2_x2 - b2_x1, b2_y2 - b2_y1
    union = w1 * h1 + w2 * h2 - inter + eps
    iou = inter / union
    cw = jnp.maximum(b1_x2, b2_x2) - jnp.minimum(b1_x1, b2_x1)
    ch = jnp.maximum(b1_y2, b2_y2) - jnp.minimum(b1_y1, b2_y1)
    c2 = cw ** 2 + ch ** 2 + eps
    rho2 = ((b2_x1 + b2_x2 - b1_x1 - b1_x2) ** 2 + (b2_y1 + b2_y2 - b1_y1 - b1_y2) ** 2) / 4.0
    v = (4.0 / math.pi ** 2) * (jnp.arctan(w2 / (h2 + eps)) - jnp.arctan(w1 / (h1 + eps))) ** 2
    alpha = jax.lax.stop_gradient(v / (1.0 - iou + v + eps))
    return iou - (rho2 / c2 + v * alpha)


def reference(p0, p1, p2, targets, anchors, anchor_t, gr):
    preds = [p0, p1, p2]
    lcls = jnp.zeros(1, dtype=jnp.float32)
    lbox = jnp.zeros(1, dtype=jnp.float32)
    lobj = jnp.zeros(1, dtype=jnp.float32)
    tcls, tbox, indices, anch, masks = build_targets_np([p.shape for p in preds], targets, anchors, anchor_t)
    cp, cn = 1.0, 0.0  # smooth_BCE(eps=0.0)
    balance = [4.0, 1.0, 0.4]
    gr_f = jnp.asarray(gr, dtype=jnp.float32)
    for i, pi in enumerate(preds):
        b, a, gj, gi = indices[i]
        tobj = jnp.zeros(pi.shape[:4], dtype=pi.dtype)
        n = b.shape[0]
        mf = masks[i].astype(pi.dtype)
        cnt = jnp.sum(mf)
        ps = pi[b, a, gj, gi]
        pxy = jax.nn.sigmoid(ps[:, :2]) * 2.0 - 0.5
        pwh = (jax.nn.sigmoid(ps[:, 2:4]) * 2.0) ** 2 * anch[i]
        pbox = jnp.concatenate((pxy, pwh), axis=1)
        giou = bbox_iou_ciou(pbox.T, tbox[i])
        lbox = lbox + jnp.where(cnt > 0, jnp.sum(mf * (1.0 - giou)) / cnt, 0.0)
        obj_t = (1.0 - gr_f) + gr_f * jnp.clip(jax.lax.stop_gradient(giou), 0.0, None)
        b_s = jnp.where(masks[i], b, pi.shape[0])
        tobj = tobj.at[b_s, a, gj, gi].set(obj_t.astype(tobj.dtype), mode='drop')
        if NC > 1:
            tcl = jnp.full((n, NC), cn, dtype=ps.dtype)
            tcl = tcl.at[jnp.arange(n), tcls[i]].set(cp)
            lcls = lcls + bce_logits_masked(ps[:, 5:], tcl, HYP['cls_pw'], mf, cnt)
        lobj = lobj + bce_logits(pi[..., 4], tobj, HYP['obj_pw']) * balance[i]
    s = 3.0 / len(preds)
    lbox = lbox * HYP['giou'] * s
    lobj = lobj * HYP['obj'] * s * 1.0
    lcls = lcls * HYP['cls'] * s
    bs = preds[-1].shape[0]
    loss = lbox + lobj + lcls
    return (loss * bs, jax.lax.stop_gradient(jnp.concatenate((lbox, lobj, lcls, loss))))

if __name__ == "__main__":
    import jax
    _d = setup_inputs()
    print(jax.jit(kernel)(*tuple(_d.values())))

</pallas_src>

<mosaic_0001>
module attributes {stable_mosaic.version = 14 : i64} {
  func.func @_tb_kernel(%arg0: i32, %arg1: memref<3072x8xf32, #tpu.memory_space<vmem>>, %arg2: memref<3x3x2xf32, #tpu.memory_space<smem>>, %arg3: memref<1xf32, #tpu.memory_space<smem>>, %arg4: memref<3072x8xf32, #tpu.memory_space<vmem>>, %arg5: memref<3072x1xi32, #tpu.memory_space<vmem>>, %arg6: memref<3072x1xi32, #tpu.memory_space<vmem>>) attributes {dimension_semantics = [#tpu.dimension_semantics<arbitrary>], iteration_bounds = array<i64: 3>, scalar_prefetch = 0 : i64, scratch_operands = 0 : i64, tpu.core_type = #tpu.core_type<tc>, window_params = [{pipeline_mode = #tpu.pipeline_mode<synchronous>, transform_indices = @transform_0, window_bounds = array<i64: 3072, 8>}, {transform_indices = @transform_1, window_bounds = array<i64: 3, 3, 2>}, {transform_indices = @transform_2, window_bounds = array<i64: 1>}, {transform_indices = @transform_3, window_bounds = array<i64: 3072, 8>}, {transform_indices = @transform_4, window_bounds = array<i64: 3072, 1>}, {transform_indices = @transform_5, window_bounds = array<i64: 3072, 1>}]} {
    %eq3A = arith.constant 0 : i32
    %eq3A_0 = arith.cmpi eq, %arg0, %eq3A : i32
    %eq3A_1 = arith.constant 1 : i32
    %eq3A_2 = arith.cmpi eq, %arg0, %eq3A_1 : i32
    %jit3A = arith.constant 3.200000e+01 : f32
    %jit3A_3 = arith.constant 1.600000e+01 : f32
    %select_n3A = arith.select %eq3A_2, %jit3A, %jit3A_3 : f32
    %jit3A_4 = arith.constant 6.400000e+01 : f32
    %select_n3A_5 = arith.select %eq3A_0, %jit3A_4, %select_n3A : f32
    %eq3A_6 = arith.constant 0 : i32
    %eq3A_7 = arith.cmpi eq, %arg0, %eq3A_6 : i32
    %eq3A_8 = arith.constant 1 : i32
    %eq3A_9 = arith.cmpi eq, %arg0, %eq3A_8 : i32
    %jit3A_10 = arith.constant 32 : i32
    %jit3A_11 = arith.constant 16 : i32
    %select_n3A_12 = arith.select %eq3A_9, %jit3A_10, %jit3A_11 : i32
    %jit3A_13 = arith.constant 64 : i32
    %select_n3A_14 = arith.select %eq3A_7, %jit3A_13, %select_n3A_12 : i32
    %get3A = arith.constant 0 : index
    %get3A_15 = memref.load %arg3[%get3A] : memref<1xf32, #tpu.memory_space<smem>>
    %get3A_16 = arith.constant 0 : index
    %get3A_17 = arith.constant 0 : index
    %get3A_18 = vector.load %arg1[%get3A_16, %get3A_17] : memref<3072x8xf32, #tpu.memory_space<vmem>>, vector<3072x1xf32>
    %get3A_19 = arith.constant 0 : index
    %get3A_20 = arith.constant 1 : index
    %get3A_21 = vector.load %arg1[%get3A_19, %get3A_20] : memref<3072x8xf32, #tpu.memory_space<vmem>>, vector<3072x1xf32>
    %get3A_22 = arith.constant 0 : index
    %get3A_23 = arith.constant 2 : index
    %get3A_24 = vector.load %arg1[%get3A_22, %get3A_23] : memref<3072x8xf32, #tpu.memory_space<vmem>>, vector<3072x1xf32>
    %mul3A = vector.broadcast %select_n3A_5 : f32 to vector<3072x1xf32>
    %mul3A_25 = arith.mulf %get3A_24, %mul3A : vector<3072x1xf32>
    %get3A_26 = arith.constant 0 : index
    %get3A_27 = arith.constant 3 : index
    %get3A_28 = vector.load %arg1[%get3A_26, %get3A_27] : memref<3072x8xf32, #tpu.memory_space<vmem>>, vector<3072x1xf32>
    %mul3A_29 = vector.broadcast %select_n3A_5 : f32 to vector<3072x1xf32>
    %mul3A_30 = arith.mulf %get3A_28, %mul3A_29 : vector<3072x1xf32>
    %get3A_31 = arith.constant 0 : index
    %get3A_32 = arith.constant 4 : index
    %get3A_33 = vector.load %arg1[%get3A_31, %get3A_32] : memref<3072x8xf32, #tpu.memory_space<vmem>>, vector<3072x1xf32>
    %mul3A_34 = vector.broadcast %select_n3A_5 : f32 to vector<3072x1xf32>
    %mul3A_35 = arith.mulf %get3A_33, %mul3A_34 : vector<3072x1xf32>
    %get3A_36 = arith.constant 0 : index
    %get3A_37 = arith.constant 5 : index
    %get3A_38 = vector.load %arg1[%get3A_36, %get3A_37] : memref<3072x8xf32, #tpu.memory_space<vmem>>, vector<3072x1xf32>
    %mul3A_39 = vector.broadcast %select_n3A_5 : f32 to vector<3072x1xf32>
    %mul3A_40 = arith.mulf %get3A_38, %mul3A_39 : vector<3072x1xf32>
    %get3A_41 = arith.constant 0 : index
    %get3A_42 = arith.constant 6 : index
    %get3A_43 = vector.load %arg1[%get3A_41, %get3A_42] : memref<3072x8xf32, #tpu.memory_space<vmem>>, vector<3072x1xf32>
    %get3A_44 = arith.constant 0 : index
    %get3A_45 = arith.constant 7 : index
    %get3A_46 = vector.load %arg1[%get3A_44, %get3A_45] : memref<3072x8xf32, #tpu.memory_space<vmem>>, vector<3072x1xf32>
    %get3A_47 = arith.index_cast %arg0 : i32 to index
    %get3A_48 = arith.constant 0 : index
    %get3A_49 = arith.constant 0 : index
    %get3A_50 = memref.load %arg2[%get3A_47, %get3A_48, %get3A_49] : memref<3x3x2xf32, #tpu.memory_space<smem>>
    %get3A_51 = arith.index_cast %arg0 : i32 to index
    %get3A_52 = arith.constant 1 : index
    %get3A_53 = arith.constant 0 : index
    %get3A_54 = memref.load %arg2[%get3A_51, %get3A_52, %get3A_53] : memref<3x3x2xf32, #tpu.memory_space<smem>>
    %get3A_55 = arith.index_cast %arg0 : i32 to index
    %get3A_56 = arith.constant 2 : index
    %get3A_57 = arith.constant 0 : index
    %get3A_58 = memref.load %arg2[%get3A_55, %get3A_56, %get3A_57] : memref<3x3x2xf32, #tpu.memory_space<smem>>
    %eq3A_59 = arith.constant 0.000000e+00 : f32
    %eq3A_60 = vector.broadcast %eq3A_59 : f32 to vector<3072x1xf32>
    %eq3A_61 = arith.cmpf oeq, %get3A_43, %eq3A_60 : vector<3072x1xf32>
    %eq3A_62 = arith.constant 1.000000e+00 : f32
    %eq3A_63 = vector.broadcast %eq3A_62 : f32 to vector<3072x1xf32>
    %eq3A_64 = arith.cmpf oeq, %get3A_43, %eq3A_63 : vector<3072x1xf32>
    %broadcast_in_dim3A = vector.broadcast %get3A_54 : f32 to vector<3072x1xf32>
    %broadcast_in_dim3A_65 = vector.broadcast %get3A_58 : f32 to vector<3072x1xf32>
    %select_n3A_66 = arith.select %eq3A_64, %broadcast_in_dim3A, %broadcast_in_dim3A_65 : vector<3072x1xi1>, vector<3072x1xf32>
    %broadcast_in_dim3A_67 = vector.broadcast %get3A_50 : f32 to vector<3072x1xf32>
    %select_n3A_68 = arith.select %eq3A_61, %broadcast_in_dim3A_67, %select_n3A_66 : vector<3072x1xi1>, vector<3072x1xf32>
    %get3A_69 = arith.index_cast %arg0 : i32 to index
    %get3A_70 = arith.constant 0 : index
    %get3A_71 = arith.constant 1 : index
    %get3A_72 = memref.load %arg2[%get3A_69, %get3A_70, %get3A_71] : memref<3x3x2xf32, #tpu.memory_space<smem>>
    %get3A_73 = arith.index_cast %arg0 : i32 to index
    %get3A_74 = arith.constant 1 : index
    %get3A_75 = arith.constant 1 : index
    %get3A_76 = memref.load %arg2[%get3A_73, %get3A_74, %get3A_75] : memref<3x3x2xf32, #tpu.memory_space<smem>>
    %get3A_77 = arith.index_cast %arg0 : i32 to index
    %get3A_78 = arith.constant 2 : index
    %get3A_79 = arith.constant 1 : index
    %get3A_80 = memref.load %arg2[%get3A_77, %get3A_78, %get3A_79] : memref<3x3x2xf32, #tpu.memory_space<smem>>
    %eq3A_81 = arith.constant 0.000000e+00 : f32
    %eq3A_82 = vector.broadcast %eq3A_81 : f32 to vector<3072x1xf32>
    %eq3A_83 = arith.cmpf oeq, %get3A_43, %eq3A_82 : vector<3072x1xf32>
    %eq3A_84 = arith.constant 1.000000e+00 : f32
    %eq3A_85 = vector.broadcast %eq3A_84 : f32 to vector<3072x1xf32>
    %eq3A_86 = arith.cmpf oeq, %get3A_43, %eq3A_85 : vector<3072x1xf32>
    %broadcast_in_dim3A_87 = vector.broadcast %get3A_76 : f32 to vector<3072x1xf32>
    %broadcast_in_dim3A_88 = vector.broadcast %get3A_80 : f32 to vector<3072x1xf32>
    %select_n3A_89 = arith.select %eq3A_86, %broadcast_in_dim3A_87, %broadcast_in_dim3A_88 : vector<3072x1xi1>, vector<3072x1xf32>
    %broadcast_in_dim3A_90 = vector.broadcast %get3A_72 : f32 to vector<3072x1xf32>
    %select_n3A_91 = arith.select %eq3A_83, %broadcast_in_dim3A_90, %select_n3A_89 : vector<3072x1xi1>, vector<3072x1xf32>
    %div3A = arith.divf %mul3A_35, %select_n3A_68 : vector<3072x1xf32>
    %div3A_92 = arith.divf %mul3A_40, %select_n3A_91 : vector<3072x1xf32>
    %div3A_93 = arith.constant 1.000000e+00 : f32
    %div3A_94 = vector.broadcast %div3A_93 : f32 to vector<3072x1xf32>
    %div3A_95 = arith.divf %div3A_94, %div3A : vector<3072x1xf32>
    %max3A = arith.maximumf %div3A, %div3A_95 : vector<3072x1xf32>
    %div3A_96 = arith.constant 1.000000e+00 : f32
    %div3A_97 = vector.broadcast %div3A_96 : f32 to vector<3072x1xf32>
    %div3A_98 = arith.divf %div3A_97, %div3A_92 : vector<3072x1xf32>
    %max3A_99 = arith.maximumf %div3A_92, %div3A_98 : vector<3072x1xf32>
    %max3A_100 = arith.maximumf %max3A, %max3A_99 : vector<3072x1xf32>
    %lt3A = vector.broadcast %get3A_15 : f32 to vector<3072x1xf32>
    %lt3A_101 = arith.cmpf olt, %max3A_100, %lt3A : vector<3072x1xf32>
    %broadcast_in_dim3A_102 = arith.constant 1.000000e+00 : f32
    %broadcast_in_dim3A_103 = vector.broadcast %broadcast_in_dim3A_102 : f32 to vector<3072x1xf32>
    %broadcast_in_dim3A_104 = arith.constant 0.000000e+00 : f32
    %broadcast_in_dim3A_105 = vector.broadcast %broadcast_in_dim3A_104 : f32 to vector<3072x1xf32>
    %jit3A_106 = arith.constant 1.000000e+00 : f32
    %rem3A = vector.broadcast %jit3A_106 : f32 to vector<3072x1xf32>
    %rem3A_107 = arith.remf %mul3A_25, %rem3A : vector<3072x1xf32>
    %ne3A = arith.constant 0.000000e+00 : f32
    %ne3A_108 = vector.broadcast %ne3A : f32 to vector<3072x1xf32>
    %ne3A_109 = arith.cmpf one, %rem3A_107, %ne3A_108 : vector<3072x1xf32>
    %lt3A_110 = arith.constant 0.000000e+00 : f32
    %lt3A_111 = vector.broadcast %lt3A_110 : f32 to vector<3072x1xf32>
    %lt3A_112 = arith.cmpf olt, %rem3A_107, %lt3A_111 : vector<3072x1xf32>
    %lt3A_113 = arith.constant 0.000000e+00 : f32
    %lt3A_114 = arith.cmpf olt, %jit3A_106, %lt3A_113 : f32
    %ne3A_115 = vector.broadcast %lt3A_114 : i1 to vector<3072x1xi1>
    %ne3A_116 = vector.broadcast %ne3A_115 : vector<3072x1xi1> to vector<3072x1xi1>
    %ne3A_117 = arith.xori %lt3A_112, %ne3A_116 : vector<3072x1xi1>
    %and3A = arith.andi %ne3A_117, %ne3A_109 : vector<3072x1xi1>
    %add3A = vector.broadcast %jit3A_106 : f32 to vector<3072x1xf32>
    %add3A_118 = arith.addf %rem3A_107, %add3A : vector<3072x1xf32>
    %select_n3A_119 = arith.select %and3A, %add3A_118, %rem3A_107 : vector<3072x1xi1>, vector<3072x1xf32>
    %lt3A_120 = arith.constant 5.000000e-01 : f32
    %lt3A_121 = vector.broadcast %lt3A_120 : f32 to vector<3072x1xf32>
    %lt3A_122 = arith.cmpf olt, %select_n3A_119, %lt3A_121 : vector<3072x1xf32>
    %gt3A = arith.constant 1.000000e+00 : f32
    %gt3A_123 = vector.broadcast %gt3A : f32 to vector<3072x1xf32>
    %gt3A_124 = arith.cmpf ogt, %mul3A_25, %gt3A_123 : vector<3072x1xf32>
    %and3A_125 = arith.andi %lt3A_122, %gt3A_124 : vector<3072x1xi1>
    %select_n3A_126 = arith.select %and3A_125, %broadcast_in_dim3A_103, %broadcast_in_dim3A_105 : vector<3072x1xi1>, vector<3072x1xf32>
    %jit3A_127 = arith.constant 1.000000e+00 : f32
    %rem3A_128 = vector.broadcast %jit3A_127 : f32 to vector<3072x1xf32>
    %rem3A_129 = arith.remf %mul3A_30, %rem3A_128 : vector<3072x1xf32>
    %ne3A_130 = arith.constant 0.000000e+00 : f32
    %ne3A_131 = vector.broadcast %ne3A_130 : f32 to vector<3072x1xf32>
    %ne3A_132 = arith.cmpf one, %rem3A_129, %ne3A_131 : vector<3072x1xf32>
    %lt3A_133 = arith.constant 0.000000e+00 : f32
    %lt3A_134 = vector.broadcast %lt3A_133 : f32 to vector<3072x1xf32>
    %lt3A_135 = arith.cmpf olt, %rem3A_129, %lt3A_134 : vector<3072x1xf32>
    %lt3A_136 = arith.constant 0.000000e+00 : f32
    %lt3A_137 = arith.cmpf olt, %jit3A_127, %lt3A_136 : f32
    %ne3A_138 = vector.broadcast %lt3A_137 : i1 to vector<3072x1xi1>
    %ne3A_139 = vector.broadcast %ne3A_138 : vector<3072x1xi1> to vector<3072x1xi1>
    %ne3A_140 = arith.xori %lt3A_135, %ne3A_139 : vector<3072x1xi1>
    %and3A_141 = arith.andi %ne3A_140, %ne3A_132 : vector<3072x1xi1>
    %add3A_142 = vector.broadcast %jit3A_127 : f32 to vector<3072x1xf32>
    %add3A_143 = arith.addf %rem3A_129, %add3A_142 : vector<3072x1xf32>
    %select_n3A_144 = arith.select %and3A_141, %add3A_143, %rem3A_129 : vector<3072x1xi1>, vector<3072x1xf32>
    %lt3A_145 = arith.constant 5.000000e-01 : f32
    %lt3A_146 = vector.broadcast %lt3A_145 : f32 to vector<3072x1xf32>
    %lt3A_147 = arith.cmpf olt, %select_n3A_144, %lt3A_146 : vector<3072x1xf32>
    %gt3A_148 = arith.constant 1.000000e+00 : f32
    %gt3A_149 = vector.broadcast %gt3A_148 : f32 to vector<3072x1xf32>
    %gt3A_150 = arith.cmpf ogt, %mul3A_30, %gt3A_149 : vector<3072x1xf32>
    %and3A_151 = arith.andi %lt3A_147, %gt3A_150 : vector<3072x1xi1>
    %select_n3A_152 = arith.select %and3A_151, %broadcast_in_dim3A_103, %broadcast_in_dim3A_105 : vector<3072x1xi1>, vector<3072x1xf32>
    %sub3A = vector.broadcast %select_n3A_5 : f32 to vector<3072x1xf32>
    %sub3A_153 = arith.subf %sub3A, %mul3A_25 : vector<3072x1xf32>
    %jit3A_154 = arith.constant 1.000000e+00 : f32
    %rem3A_155 = vector.broadcast %jit3A_154 : f32 to vector<3072x1xf32>
    %rem3A_156 = arith.remf %sub3A_153, %rem3A_155 : vector<3072x1xf32>
    %ne3A_157 = arith.constant 0.000000e+00 : f32
    %ne3A_158 = vector.broadcast %ne3A_157 : f32 to vector<3072x1xf32>
    %ne3A_159 = arith.cmpf one, %rem3A_156, %ne3A_158 : vector<3072x1xf32>
    %lt3A_160 = arith.constant 0.000000e+00 : f32
    %lt3A_161 = vector.broadcast %lt3A_160 : f32 to vector<3072x1xf32>
    %lt3A_162 = arith.cmpf olt, %rem3A_156, %lt3A_161 : vector<3072x1xf32>
    %lt3A_163 = arith.constant 0.000000e+00 : f32
    %lt3A_164 = arith.cmpf olt, %jit3A_154, %lt3A_163 : f32
    %ne3A_165 = vector.broadcast %lt3A_164 : i1 to vector<3072x1xi1>
    %ne3A_166 = vector.broadcast %ne3A_165 : vector<3072x1xi1> to vector<3072x1xi1>
    %ne3A_167 = arith.xori %lt3A_162, %ne3A_166 : vector<3072x1xi1>
    %and3A_168 = arith.andi %ne3A_167, %ne3A_159 : vector<3072x1xi1>
    %add3A_169 = vector.broadcast %jit3A_154 : f32 to vector<3072x1xf32>
    %add3A_170 = arith.addf %rem3A_156, %add3A_169 : vector<3072x1xf32>
    %select_n3A_171 = arith.select %and3A_168, %add3A_170, %rem3A_156 : vector<3072x1xi1>, vector<3072x1xf32>
    %lt3A_172 = arith.constant 5.000000e-01 : f32
    %lt3A_173 = vector.broadcast %lt3A_172 : f32 to vector<3072x1xf32>
    %lt3A_174 = arith.cmpf olt, %select_n3A_171, %lt3A_173 : vector<3072x1xf32>
    %sub3A_175 = vector.broadcast %select_n3A_5 : f32 to vector<3072x1xf32>
    %sub3A_176 = arith.subf %sub3A_175, %mul3A_25 : vector<3072x1xf32>
    %gt3A_177 = arith.constant 1.000000e+00 : f32
    %gt3A_178 = vector.broadcast %gt3A_177 : f32 to vector<3072x1xf32>
    %gt3A_179 = arith.cmpf ogt, %sub3A_176, %gt3A_178 : vector<3072x1xf32>
    %and3A_180 = arith.andi %lt3A_174, %gt3A_179 : vector<3072x1xi1>
    %select_n3A_181 = arith.select %and3A_180, %broadcast_in_dim3A_103, %broadcast_in_dim3A_105 : vector<3072x1xi1>, vector<3072x1xf32>
    %sub3A_182 = vector.broadcast %select_n3A_5 : f32 to vector<3072x1xf32>
    %sub3A_183 = arith.subf %sub3A_182, %mul3A_30 : vector<3072x1xf32>
    %jit3A_184 = arith.constant 1.000000e+00 : f32
    %rem3A_185 = vector.broadcast %jit3A_184 : f32 to vector<3072x1xf32>
    %rem3A_186 = arith.remf %sub3A_183, %rem3A_185 : vector<3072x1xf32>
    %ne3A_187 = arith.constant 0.000000e+00 : f32
    %ne3A_188 = vector.broadcast %ne3A_187 : f32 to vector<3072x1xf32>
    %ne3A_189 = arith.cmpf one, %rem3A_186, %ne3A_188 : vector<3072x1xf32>
    %lt3A_190 = arith.constant 0.000000e+00 : f32
    %lt3A_191 = vector.broadcast %lt3A_190 : f32 to vector<3072x1xf32>
    %lt3A_192 = arith.cmpf olt, %rem3A_186, %lt3A_191 : vector<3072x1xf32>
    %lt3A_193 = arith.constant 0.000000e+00 : f32
    %lt3A_194 = arith.cmpf olt, %jit3A_184, %lt3A_193 : f32
    %ne3A_195 = vector.broadcast %lt3A_194 : i1 to vector<3072x1xi1>
    %ne3A_196 = vector.broadcast %ne3A_195 : vector<3072x1xi1> to vector<3072x1xi1>
    %ne3A_197 = arith.xori %lt3A_192, %ne3A_196 : vector<3072x1xi1>
    %and3A_198 = arith.andi %ne3A_197, %ne3A_189 : vector<3072x1xi1>
    %add3A_199 = vector.broadcast %jit3A_184 : f32 to vector<3072x1xf32>
    %add3A_200 = arith.addf %rem3A_186, %add3A_199 : vector<3072x1xf32>
    %select_n3A_201 = arith.select %and3A_198, %add3A_200, %rem3A_186 : vector<3072x1xi1>, vector<3072x1xf32>
    %lt3A_202 = arith.constant 5.000000e-01 : f32
    %lt3A_203 = vector.broadcast %lt3A_202 : f32 to vector<3072x1xf32>
    %lt3A_204 = arith.cmpf olt, %select_n3A_201, %lt3A_203 : vector<3072x1xf32>
    %sub3A_205 = vector.broadcast %select_n3A_5 : f32 to vector<3072x1xf32>
    %sub3A_206 = arith.subf %sub3A_205, %mul3A_30 : vector<3072x1xf32>
    %gt3A_207 = arith.constant 1.000000e+00 : f32
    %gt3A_208 = vector.broadcast %gt3A_207 : f32 to vector<3072x1xf32>
    %gt3A_209 = arith.cmpf ogt, %sub3A_206, %gt3A_208 : vector<3072x1xf32>
    %and3A_210 = arith.andi %lt3A_204, %gt3A_209 : vector<3072x1xi1>
    %select_n3A_211 = arith.select %and3A_210, %broadcast_in_dim3A_103, %broadcast_in_dim3A_105 : vector<3072x1xi1>, vector<3072x1xf32>
    %eq3A_212 = arith.constant 0.000000e+00 : f32
    %eq3A_213 = vector.broadcast %eq3A_212 : f32 to vector<3072x1xf32>
    %eq3A_214 = arith.cmpf oeq, %get3A_46, %eq3A_213 : vector<3072x1xf32>
    %eq3A_215 = arith.constant 1.000000e+00 : f32
    %eq3A_216 = vector.broadcast %eq3A_215 : f32 to vector<3072x1xf32>
    %eq3A_217 = arith.cmpf oeq, %get3A_46, %eq3A_216 : vector<3072x1xf32>
    %eq3A_218 = arith.constant 2.000000e+00 : f32
    %eq3A_219 = vector.broadcast %eq3A_218 : f32 to vector<3072x1xf32>
    %eq3A_220 = arith.cmpf oeq, %get3A_46, %eq3A_219 : vector<3072x1xf32>
    %eq3A_221 = arith.constant 3.000000e+00 : f32
    %eq3A_222 = vector.broadcast %eq3A_221 : f32 to vector<3072x1xf32>
    %eq3A_223 = arith.cmpf oeq, %get3A_46, %eq3A_222 : vector<3072x1xf32>
    %eq3A_224 = arith.constant 4.000000e+00 : f32
    %eq3A_225 = vector.broadcast %eq3A_224 : f32 to vector<3072x1xf32>
    %eq3A_226 = arith.cmpf oeq, %get3A_46, %eq3A_225 : vector<3072x1xf32>
    %select_n3A_227 = arith.select %eq3A_226, %select_n3A_211, %broadcast_in_dim3A_105 : vector<3072x1xi1>, vector<3072x1xf32>
    %select_n3A_228 = arith.select %eq3A_223, %select_n3A_181, %select_n3A_227 : vector<3072x1xi1>, vector<3072x1xf32>
    %select_n3A_229 = arith.select %eq3A_220, %select_n3A_152, %select_n3A_228 : vector<3072x1xi1>, vector<3072x1xf32>
    %select_n3A_230 = arith.select %eq3A_217, %select_n3A_126, %select_n3A_229 : vector<3072x1xi1>, vector<3072x1xf32>
    %select_n3A_231 = arith.select %eq3A_214, %broadcast_in_dim3A_103, %select_n3A_230 : vector<3072x1xi1>, vector<3072x1xf32>
    %select_n3A_232 = arith.select %lt3A_101, %broadcast_in_dim3A_103, %broadcast_in_dim3A_105 : vector<3072x1xi1>, vector<3072x1xf32>
    %mul3A_233 = arith.mulf %select_n3A_231, %select_n3A_232 : vector<3072x1xf32>
    %eq3A_234 = arith.constant 1.000000e+00 : f32
    %eq3A_235 = vector.broadcast %eq3A_234 : f32 to vector<3072x1xf32>
    %eq3A_236 = arith.cmpf oeq, %get3A_46, %eq3A_235 : vector<3072x1xf32>
    %eq3A_237 = arith.constant 3.000000e+00 : f32
    %eq3A_238 = vector.broadcast %eq3A_237 : f32 to vector<3072x1xf32>
    %eq3A_239 = arith.cmpf oeq, %get3A_46, %eq3A_238 : vector<3072x1xf32>
    %jit3A_240 = arith.constant -5.000000e-01 : f32
    %jit3A_241 = arith.constant 0.000000e+00 : f32
    %broadcast_in_dim3A_242 = vector.broadcast %jit3A_240 : f32 to vector<3072x1xf32>
    %broadcast_in_dim3A_243 = vector.broadcast %jit3A_241 : f32 to vector<3072x1xf32>
    %select_n3A_244 = arith.select %eq3A_239, %broadcast_in_dim3A_242, %broadcast_in_dim3A_243 : vector<3072x1xi1>, vector<3072x1xf32>
    %jit3A_245 = arith.constant 5.000000e-01 : f32
    %broadcast_in_dim3A_246 = vector.broadcast %jit3A_245 : f32 to vector<3072x1xf32>
    %select_n3A_247 = arith.select %eq3A_236, %broadcast_in_dim3A_246, %select_n3A_244 : vector<3072x1xi1>, vector<3072x1xf32>
    %eq3A_248 = arith.constant 2.000000e+00 : f32
    %eq3A_249 = vector.broadcast %eq3A_248 : f32 to vector<3072x1xf32>
    %eq3A_250 = arith.cmpf oeq, %get3A_46, %eq3A_249 : vector<3072x1xf32>
    %eq3A_251 = arith.constant 4.000000e+00 : f32
    %eq3A_252 = vector.broadcast %eq3A_251 : f32 to vector<3072x1xf32>
    %eq3A_253 = arith.cmpf oeq, %get3A_46, %eq3A_252 : vector<3072x1xf32>
    %jit3A_254 = arith.constant -5.000000e-01 : f32
    %jit3A_255 = arith.constant 0.000000e+00 : f32
    %broadcast_in_dim3A_256 = vector.broadcast %jit3A_254 : f32 to vector<3072x1xf32>
    %broadcast_in_dim3A_257 = vector.broadcast %jit3A_255 : f32 to vector<3072x1xf32>
    %select_n3A_258 = arith.select %eq3A_253, %broadcast_in_dim3A_256, %broadcast_in_dim3A_257 : vector<3072x1xi1>, vector<3072x1xf32>
    %jit3A_259 = arith.constant 5.000000e-01 : f32
    %broadcast_in_dim3A_260 = vector.broadcast %jit3A_259 : f32 to vector<3072x1xf32>
    %select_n3A_261 = arith.select %eq3A_250, %broadcast_in_dim3A_260, %select_n3A_258 : vector<3072x1xi1>, vector<3072x1xf32>
    %sub3A_262 = arith.subf %mul3A_25, %select_n3A_247 : vector<3072x1xf32>
    %convert_element_type3A = arith.fptosi %sub3A_262 : vector<3072x1xf32> to vector<3072x1xi32>
    %sub3A_263 = arith.constant 1 : i32
    %sub3A_264 = arith.subi %select_n3A_14, %sub3A_263 : i32
    %jit3A_265 = arith.constant 0 : i32
    %max3A_266 = vector.broadcast %jit3A_265 : i32 to vector<3072x1xi32>
    %max3A_267 = arith.maxsi %max3A_266, %convert_element_type3A : vector<3072x1xi32>
    %min3A = vector.broadcast %sub3A_264 : i32 to vector<3072x1xi32>
    %min3A_268 = arith.minsi %min3A, %max3A_267 : vector<3072x1xi32>
    %sub3A_269 = arith.subf %mul3A_30, %select_n3A_261 : vector<3072x1xf32>
    %convert_element_type3A_270 = arith.fptosi %sub3A_269 : vector<3072x1xf32> to vector<3072x1xi32>
    %sub3A_271 = arith.constant 1 : i32
    %sub3A_272 = arith.subi %select_n3A_14, %sub3A_271 : i32
    %jit3A_273 = arith.constant 0 : i32
    %max3A_274 = vector.broadcast %jit3A_273 : i32 to vector<3072x1xi32>
    %max3A_275 = arith.maxsi %max3A_274, %convert_element_type3A_270 : vector<3072x1xi32>
    %min3A_276 = vector.broadcast %sub3A_272 : i32 to vector<3072x1xi32>
    %min3A_277 = arith.minsi %min3A_276, %max3A_275 : vector<3072x1xi32>
    %convert_element_type3A_278 = arith.fptosi %get3A_18 : vector<3072x1xf32> to vector<3072x1xi32>
    %convert_element_type3A_279 = arith.fptosi %get3A_43 : vector<3072x1xf32> to vector<3072x1xi32>
    %mul3A_280 = arith.constant 3 : i32
    %mul3A_281 = vector.broadcast %mul3A_280 : i32 to vector<3072x1xi32>
    %mul3A_282 = arith.muli %convert_element_type3A_278, %mul3A_281 : vector<3072x1xi32>
    %add3A_283 = arith.addi %mul3A_282, %convert_element_type3A_279 : vector<3072x1xi32>
    %mul3A_284 = vector.broadcast %select_n3A_14 : i32 to vector<3072x1xi32>
    %mul3A_285 = arith.muli %add3A_283, %mul3A_284 : vector<3072x1xi32>
    %add3A_286 = arith.addi %mul3A_285, %min3A_277 : vector<3072x1xi32>
    %mul3A_287 = vector.broadcast %select_n3A_14 : i32 to vector<3072x1xi32>
    %mul3A_288 = arith.muli %add3A_286, %mul3A_287 : vector<3072x1xi32>
    %add3A_289 = arith.addi %mul3A_288, %min3A_268 : vector<3072x1xi32>
    %eq3A_290 = arith.constant 0 : i32
    %eq3A_291 = arith.cmpi eq, %arg0, %eq3A_290 : i32
    %eq3A_292 = arith.constant 1 : i32
    %eq3A_293 = arith.cmpi eq, %arg0, %eq3A_292 : i32
    %jit3A_294 = arith.constant 196608 : i32
    %jit3A_295 = arith.constant 245760 : i32
    %select_n3A_296 = arith.select %eq3A_293, %jit3A_294, %jit3A_295 : i32
    %jit3A_297 = arith.constant 0 : i32
    %select_n3A_298 = arith.select %eq3A_291, %jit3A_297, %select_n3A_296 : i32
    %gt3A_299 = arith.constant 0.000000e+00 : f32
    %gt3A_300 = vector.broadcast %gt3A_299 : f32 to vector<3072x1xf32>
    %gt3A_301 = arith.cmpf ogt, %mul3A_233, %gt3A_300 : vector<3072x1xf32>
    %add3A_302 = vector.broadcast %select_n3A_298 : i32 to vector<3072x1xi32>
    %add3A_303 = arith.addi %add3A_289, %add3A_302 : vector<3072x1xi32>
    %jit3A_304 = arith.constant 258048 : i32
    %broadcast_in_dim3A_305 = vector.broadcast %jit3A_304 : i32 to vector<3072x1xi32>
    %select_n3A_306 = arith.select %gt3A_301, %add3A_303, %broadcast_in_dim3A_305 : vector<3072x1xi1>, vector<3072x1xi32>
    %convert_element_type3A_307 = arith.sitofp %min3A_268 : vector<3072x1xi32> to vector<3072x1xf32>
    %sub3A_308 = arith.subf %mul3A_25, %convert_element_type3A_307 : vector<3072x1xf32>
    %swap3A = arith.constant 0 : index
    %swap3A_309 = arith.constant 0 : index
    %swap3A_310 = vector.load %arg4[%swap3A, %swap3A_309] : memref<3072x8xf32, #tpu.memory_space<vmem>>, vector<3072x1xf32>
    tpu.vector_store %arg4[%swap3A, %swap3A_309], %sub3A_308 {strides = array<i32>} : memref<3072x8xf32, #tpu.memory_space<vmem>>, vector<3072x1xf32>,
    %convert_element_type3A_311 = arith.sitofp %min3A_277 : vector<3072x1xi32> to vector<3072x1xf32>
    %sub3A_312 = arith.subf %mul3A_30, %convert_element_type3A_311 : vector<3072x1xf32>
    %swap3A_313 = arith.constant 0 : index
    %swap3A_314 = arith.constant 1 : index
    %swap3A_315 = vector.load %arg4[%swap3A_313, %swap3A_314] : memref<3072x8xf32, #tpu.memory_space<vmem>>, vector<3072x1xf32>
    tpu.vector_store %arg4[%swap3A_313, %swap3A_314], %sub3A_312 {strides = array<i32>} : memref<3072x8xf32, #tpu.memory_space<vmem>>, vector<3072x1xf32>,
    %swap3A_316 = arith.constant 0 : index
    %swap3A_317 = arith.constant 2 : index
    %swap3A_318 = vector.load %arg4[%swap3A_316, %swap3A_317] : memref<3072x8xf32, #tpu.memory_space<vmem>>, vector<3072x1xf32>
    tpu.vector_store %arg4[%swap3A_316, %swap3A_317], %mul3A_35 {strides = array<i32>} : memref<3072x8xf32, #tpu.memory_space<vmem>>, vector<3072x1xf32>,
    %swap3A_319 = arith.constant 0 : index
    %swap3A_320 = arith.constant 3 : index
    %swap3A_321 = vector.load %arg4[%swap3A_319, %swap3A_320] : memref<3072x8xf32, #tpu.memory_space<vmem>>, vector<3072x1xf32>
    tpu.vector_store %arg4[%swap3A_319, %swap3A_320], %mul3A_40 {strides = array<i32>} : memref<3072x8xf32, #tpu.memory_space<vmem>>, vector<3072x1xf32>,
    %swap3A_322 = arith.constant 0 : index
    %swap3A_323 = arith.constant 4 : index
    %swap3A_324 = vector.load %arg4[%swap3A_322, %swap3A_323] : memref<3072x8xf32, #tpu.memory_space<vmem>>, vector<3072x1xf32>
    tpu.vector_store %arg4[%swap3A_322, %swap3A_323], %select_n3A_68 {strides = array<i32>} : memref<3072x8xf32, #tpu.memory_space<vmem>>, vector<3072x1xf32>,
    %swap3A_325 = arith.constant 0 : index
    %swap3A_326 = arith.constant 5 : index
    %swap3A_327 = vector.load %arg4[%swap3A_325, %swap3A_326] : memref<3072x8xf32, #tpu.memory_space<vmem>>, vector<3072x1xf32>
    tpu.vector_store %arg4[%swap3A_325, %swap3A_326], %select_n3A_91 {strides = array<i32>} : memref<3072x8xf32, #tpu.memory_space<vmem>>, vector<3072x1xf32>,
    %swap3A_328 = arith.constant 0 : index
    %swap3A_329 = arith.constant 6 : index
    %swap3A_330 = vector.load %arg4[%swap3A_328, %swap3A_329] : memref<3072x8xf32, #tpu.memory_space<vmem>>, vector<3072x1xf32>
    tpu.vector_store %arg4[%swap3A_328, %swap3A_329], %mul3A_233 {strides = array<i32>} : memref<3072x8xf32, #tpu.memory_space<vmem>>, vector<3072x1xf32>,
    %swap3A_331 = arith.constant 0 : index
    %swap3A_332 = arith.constant 7 : index
    %swap3A_333 = vector.load %arg4[%swap3A_331, %swap3A_332] : memref<3072x8xf32, #tpu.memory_space<vmem>>, vector<3072x1xf32>
    tpu.vector_store %arg4[%swap3A_331, %swap3A_332], %get3A_21 {strides = array<i32>} : memref<3072x8xf32, #tpu.memory_space<vmem>>, vector<3072x1xf32>,
    %swap3A_334 = arith.constant 0 : index
    %swap3A_335 = arith.constant 0 : index
    %swap3A_336 = vector.load %arg5[%swap3A_334, %swap3A_335] : memref<3072x1xi32, #tpu.memory_space<vmem>>, vector<3072x1xi32>
    tpu.vector_store %arg5[%swap3A_334, %swap3A_335], %add3A_289 {strides = array<i32>} : memref<3072x1xi32, #tpu.memory_space<vmem>>, vector<3072x1xi32>,
    %swap3A_337 = arith.constant 0 : index
    %swap3A_338 = arith.constant 0 : index
    %swap3A_339 = vector.load %arg6[%swap3A_337, %swap3A_338] : memref<3072x1xi32, #tpu.memory_space<vmem>>, vector<3072x1xi32>
    tpu.vector_store %arg6[%swap3A_337, %swap3A_338], %select_n3A_306 {strides = array<i32>} : memref<3072x1xi32, #tpu.memory_space<vmem>>, vector<3072x1xi32>,
    return
  }
  func.func @transform_0(%arg0: i32) -> (i32, i32) {
    %c0_i32 = arith.constant 0 : i32
    %c0_i32_0 = arith.constant 0 : i32
    %c0_i32_1 = arith.constant 0 : i32
    return %c0_i32, %c0_i32_0 : i32, i32
  }
  func.func @transform_1(%arg0: i32) -> (i32, i32, i32) {
    %c0_i32 = arith.constant 0 : i32
    %c0_i32_0 = arith.constant 0 : i32
    %c0_i32_1 = arith.constant 0 : i32
    %c0_i32_2 = arith.constant 0 : i32
    return %c0_i32, %c0_i32_0, %c0_i32_1 : i32, i32, i32
  }
  func.func @transform_2(%arg0: i32) -> i32 {
    %c0_i32 = arith.constant 0 : i32
    %c0_i32_0 = arith.constant 0 : i32
    return %c0_i32 : i32
  }
  func.func @transform_3(%arg0: i32) -> (i32, i32) {
    %c0_i32 = arith.constant 0 : i32
    %c0_i32_0 = arith.constant 0 : i32
    return %arg0, %c0_i32 : i32, i32
  }
  func.func @transform_4(%arg0: i32) -> (i32, i32) {
    %c0_i32 = arith.constant 0 : i32
    %c0_i32_0 = arith.constant 0 : i32
    return %arg0, %c0_i32 : i32, i32
  }
  func.func @transform_5(%arg0: i32) -> (i32, i32) {
    %c0_i32 = arith.constant 0 : i32
    %c0_i32_0 = arith.constant 0 : i32
    return %arg0, %c0_i32 : i32, i32
  }
}

module attributes {stable_mosaic.version = 14 : i64} {
  func.func @_obj_sp_kernel(%arg0: i32, %arg1: memref<12288x85xf32, #tpu.memory_space<vmem>>, %arg2: memref<1xf32, #tpu.memory_space<smem>>) attributes {dimension_semantics = [#tpu.dimension_semantics<arbitrary>], iteration_bounds = array<i64: 1>, scalar_prefetch = 0 : i64, scratch_operands = 0 : i64, tpu.core_type = #tpu.core_type<tc>, window_params = [{transform_indices = @transform_0, window_bounds = array<i64: 12288, 85>}, {transform_indices = @transform_1, window_bounds = array<i64: 1>}]} {
    %get3A = arith.constant 0 : index
    %get3A_0 = arith.constant 4 : index
    %get3A_1 = vector.load %arg1[%get3A, %get3A_0] : memref<12288x85xf32, #tpu.memory_space<vmem>>, vector<12288x1xf32>
    %max3A = arith.constant 0.000000e+00 : f32
    %max3A_2 = vector.broadcast %max3A : f32 to vector<12288x1xf32>
    %max3A_3 = arith.maximumf %get3A_1, %max3A_2 : vector<12288x1xf32>
    %abs3A = math.absf %get3A_1 : vector<12288x1xf32>
    %neg3A = arith.constant 0.000000e+00 : f32
    %neg3A_4 = vector.broadcast %neg3A : f32 to vector<12288x1xf32>
    %neg3A_5 = arith.subf %neg3A_4, %abs3A : vector<12288x1xf32>
    %exp3A = math.exp %neg3A_5 : vector<12288x1xf32>
    %add3A = arith.constant 1.000000e+00 : f32
    %add3A_6 = vector.broadcast %add3A : f32 to vector<12288x1xf32>
    %add3A_7 = arith.addf %add3A_6, %exp3A : vector<12288x1xf32>
    %log3A = math.log %add3A_7 : vector<12288x1xf32>
    %add3A_8 = arith.addf %max3A_3, %log3A : vector<12288x1xf32>
    %reduce_sum3A = vector.shape_cast %add3A_8 : vector<12288x1xf32> to vector<1x12288x1xf32>
    %reduce_sum3A_9 = arith.constant dense<0.000000e+00> : vector<1xf32>
    %reduce_sum3A_10 = vector.multi_reduction <add>, %reduce_sum3A, %reduce_sum3A_9 [1, 2] : vector<1x12288x1xf32> to vector<1xf32>
    %reduce_sum3A_11 = vector.shape_cast %reduce_sum3A_10 : vector<1xf32> to vector<1x1x1xf32>
    %reduce_sum3A_12 = vector.extract %reduce_sum3A_11[0, 0, 0] : f32 from vector<1x1x1xf32>
    %eq3A = arith.constant 0 : i32
    %eq3A_13 = arith.cmpi eq, %arg0, %eq3A : i32
    %convert_element_type3A = arith.extui %eq3A_13 : i1 to i32
    %cond3A = arith.constant 0 : i32
    %cond3A_14 = arith.cmpi ne, %convert_element_type3A, %cond3A : i32
    scf.if %cond3A_14 {
      %swap3A_19 = arith.constant 0.000000e+00 : f32
      %swap3A_20 = arith.constant 0 : index
      %swap3A_21 = memref.load %arg2[%swap3A_20] : memref<1xf32, #tpu.memory_space<smem>>
      memref.store %swap3A_19, %arg2[%swap3A_20] : memref<1xf32, #tpu.memory_space<smem>>
    } else {
    }
    %get3A_15 = arith.constant 0 : index
    %get3A_16 = memref.load %arg2[%get3A_15] : memref<1xf32, #tpu.memory_space<smem>>
    %add3A_17 = arith.addf %get3A_16, %reduce_sum3A_12 : f32
    %swap3A = arith.constant 0 : index
    %swap3A_18 = memref.load %arg2[%swap3A] : memref<1xf32, #tpu.memory_space<smem>>
    memref.store %add3A_17, %arg2[%swap3A] : memref<1xf32, #tpu.memory_space<smem>>
    return
  }
  func.func @transform_0(%arg0: i32) -> (i32, i32) {
    %c0_i32 = arith.constant 0 : i32
    %c0_i32_0 = arith.constant 0 : i32
    return %arg0, %c0_i32 : i32, i32
  }
  func.func @transform_1(%arg0: i32) -> i32 {
    %c0_i32 = arith.constant 0 : i32
    %c0_i32_0 = arith.constant 0 : i32
    return %c0_i32 : i32
  }
}

module attributes {stable_mosaic.version = 14 : i64} {
  func.func @_obj_sp_kernel(%arg0: i32, %arg1: memref<16384x85xf32, #tpu.memory_space<vmem>>, %arg2: memref<1xf32, #tpu.memory_space<smem>>) attributes {dimension_semantics = [#tpu.dimension_semantics<arbitrary>], iteration_bounds = array<i64: 3>, scalar_prefetch = 0 : i64, scratch_operands = 0 : i64, tpu.core_type = #tpu.core_type<tc>, window_params = [{transform_indices = @transform_0, window_bounds = array<i64: 16384, 85>}, {transform_indices = @transform_1, window_bounds = array<i64: 1>}]} {
    %get3A = arith.constant 0 : index
    %get3A_0 = arith.constant 4 : index
    %get3A_1 = vector.load %arg1[%get3A, %get3A_0] : memref<16384x85xf32, #tpu.memory_space<vmem>>, vector<16384x1xf32>
    %max3A = arith.constant 0.000000e+00 : f32
    %max3A_2 = vector.broadcast %max3A : f32 to vector<16384x1xf32>
    %max3A_3 = arith.maximumf %get3A_1, %max3A_2 : vector<16384x1xf32>
    %abs3A = math.absf %get3A_1 : vector<16384x1xf32>
    %neg3A = arith.constant 0.000000e+00 : f32
    %neg3A_4 = vector.broadcast %neg3A : f32 to vector<16384x1xf32>
    %neg3A_5 = arith.subf %neg3A_4, %abs3A : vector<16384x1xf32>
    %exp3A = math.exp %neg3A_5 : vector<16384x1xf32>
    %add3A = arith.constant 1.000000e+00 : f32
    %add3A_6 = vector.broadcast %add3A : f32 to vector<16384x1xf32>
    %add3A_7 = arith.addf %add3A_6, %exp3A : vector<16384x1xf32>
    %log3A = math.log %add3A_7 : vector<16384x1xf32>
    %add3A_8 = arith.addf %max3A_3, %log3A : vector<16384x1xf32>
    %reduce_sum3A = vector.shape_cast %add3A_8 : vector<16384x1xf32> to vector<1x16384x1xf32>
    %reduce_sum3A_9 = arith.constant dense<0.000000e+00> : vector<1xf32>
    %reduce_sum3A_10 = vector.multi_reduction <add>, %reduce_sum3A, %reduce_sum3A_9 [1, 2] : vector<1x16384x1xf32> to vector<1xf32>
    %reduce_sum3A_11 = vector.shape_cast %reduce_sum3A_10 : vector<1xf32> to vector<1x1x1xf32>
    %reduce_sum3A_12 = vector.extract %reduce_sum3A_11[0, 0, 0] : f32 from vector<1x1x1xf32>
    %eq3A = arith.constant 0 : i32
    %eq3A_13 = arith.cmpi eq, %arg0, %eq3A : i32
    %convert_element_type3A = arith.extui %eq3A_13 : i1 to i32
    %cond3A = arith.constant 0 : i32
    %cond3A_14 = arith.cmpi ne, %convert_element_type3A, %cond3A : i32
    scf.if %cond3A_14 {
      %swap3A_19 = arith.constant 0.000000e+00 : f32
      %swap3A_20 = arith.constant 0 : index
      %swap3A_21 = memref.load %arg2[%swap3A_20] : memref<1xf32, #tpu.memory_space<smem>>
      memref.store %swap3A_19, %arg2[%swap3A_20] : memref<1xf32, #tpu.memory_space<smem>>
    } else {
    }
    %get3A_15 = arith.constant 0 : index
    %get3A_16 = memref.load %arg2[%get3A_15] : memref<1xf32, #tpu.memory_space<smem>>
    %add3A_17 = arith.addf %get3A_16, %reduce_sum3A_12 : f32
    %swap3A = arith.constant 0 : index
    %swap3A_18 = memref.load %arg2[%swap3A] : memref<1xf32, #tpu.memory_space<smem>>
    memref.store %add3A_17, %arg2[%swap3A] : memref<1xf32, #tpu.memory_space<smem>>
    return
  }
  func.func @transform_0(%arg0: i32) -> (i32, i32) {
    %c0_i32 = arith.constant 0 : i32
    %c0_i32_0 = arith.constant 0 : i32
    return %arg0, %c0_i32 : i32, i32
  }
  func.func @transform_1(%arg0: i32) -> i32 {
    %c0_i32 = arith.constant 0 : i32
    %c0_i32_0 = arith.constant 0 : i32
    return %c0_i32 : i32
  }
}

module attributes {stable_mosaic.version = 14 : i64} {
  func.func @_obj_sp_kernel(%arg0: i32, %arg1: memref<16384x85xf32, #tpu.memory_space<vmem>>, %arg2: memref<1xf32, #tpu.memory_space<smem>>) attributes {dimension_semantics = [#tpu.dimension_semantics<arbitrary>], iteration_bounds = array<i64: 12>, scalar_prefetch = 0 : i64, scratch_operands = 0 : i64, tpu.core_type = #tpu.core_type<tc>, window_params = [{transform_indices = @transform_0, window_bounds = array<i64: 16384, 85>}, {transform_indices = @transform_1, window_bounds = array<i64: 1>}]} {
    %get3A = arith.constant 0 : index
    %get3A_0 = arith.constant 4 : index
    %get3A_1 = vector.load %arg1[%get3A, %get3A_0] : memref<16384x85xf32, #tpu.memory_space<vmem>>, vector<16384x1xf32>
    %max3A = arith.constant 0.000000e+00 : f32
    %max3A_2 = vector.broadcast %max3A : f32 to vector<16384x1xf32>
    %max3A_3 = arith.maximumf %get3A_1, %max3A_2 : vector<16384x1xf32>
    %abs3A = math.absf %get3A_1 : vector<16384x1xf32>
    %neg3A = arith.constant 0.000000e+00 : f32
    %neg3A_4 = vector.broadcast %neg3A : f32 to vector<16384x1xf32>
    %neg3A_5 = arith.subf %neg3A_4, %abs3A : vector<16384x1xf32>
    %exp3A = math.exp %neg3A_5 : vector<16384x1xf32>
    %add3A = arith.constant 1.000000e+00 : f32
    %add3A_6 = vector.broadcast %add3A : f32 to vector<16384x1xf32>
    %add3A_7 = arith.addf %add3A_6, %exp3A : vector<16384x1xf32>
    %log3A = math.log %add3A_7 : vector<16384x1xf32>
    %add3A_8 = arith.addf %max3A_3, %log3A : vector<16384x1xf32>
    %reduce_sum3A = vector.shape_cast %add3A_8 : vector<16384x1xf32> to vector<1x16384x1xf32>
    %reduce_sum3A_9 = arith.constant dense<0.000000e+00> : vector<1xf32>
    %reduce_sum3A_10 = vector.multi_reduction <add>, %reduce_sum3A, %reduce_sum3A_9 [1, 2] : vector<1x16384x1xf32> to vector<1xf32>
    %reduce_sum3A_11 = vector.shape_cast %reduce_sum3A_10 : vector<1xf32> to vector<1x1x1xf32>
    %reduce_sum3A_12 = vector.extract %reduce_sum3A_11[0, 0, 0] : f32 from vector<1x1x1xf32>
    %eq3A = arith.constant 0 : i32
    %eq3A_13 = arith.cmpi eq, %arg0, %eq3A : i32
    %convert_element_type3A = arith.extui %eq3A_13 : i1 to i32
    %cond3A = arith.constant 0 : i32
    %cond3A_14 = arith.cmpi ne, %convert_element_type3A, %cond3A : i32
    scf.if %cond3A_14 {
      %swap3A_19 = arith.constant 0.000000e+00 : f32
      %swap3A_20 = arith.constant 0 : index
      %swap3A_21 = memref.load %arg2[%swap3A_20] : memref<1xf32, #tpu.memory_space<smem>>
      memref.store %swap3A_19, %arg2[%swap3A_20] : memref<1xf32, #tpu.memory_space<smem>>
    } else {
    }
    %get3A_15 = arith.constant 0 : index
    %get3A_16 = memref.load %arg2[%get3A_15] : memref<1xf32, #tpu.memory_space<smem>>
    %add3A_17 = arith.addf %get3A_16, %reduce_sum3A_12 : f32
    %swap3A = arith.constant 0 : index
    %swap3A_18 = memref.load %arg2[%swap3A] : memref<1xf32, #tpu.memory_space<smem>>
    memref.store %add3A_17, %arg2[%swap3A] : memref<1xf32, #tpu.memory_space<smem>>
    return
  }
  func.func @transform_0(%arg0: i32) -> (i32, i32) {
    %c0_i32 = arith.constant 0 : i32
    %c0_i32_0 = arith.constant 0 : i32
    return %arg0, %c0_i32 : i32, i32
  }
  func.func @transform_1(%arg0: i32) -> i32 {
    %c0_i32 = arith.constant 0 : i32
    %c0_i32_0 = arith.constant 0 : i32
    return %c0_i32 : i32
  }
}

module attributes {stable_mosaic.version = 14 : i64} {
  func.func @_entry_kernel(%arg0: i32, %arg1: memref<3072x85xf32, #tpu.memory_space<vmem>>, %arg2: memref<3072x8xf32, #tpu.memory_space<vmem>>, %arg3: memref<3072x1xf32, #tpu.memory_space<vmem>>, %arg4: memref<1xf32, #tpu.memory_space<smem>>, %arg5: memref<1x1x4xf32, #tpu.memory_space<smem>>) attributes {dimension_semantics = [#tpu.dimension_semantics<arbitrary>], iteration_bounds = array<i64: 3>, scalar_prefetch = 0 : i64, scratch_operands = 0 : i64, tpu.core_type = #tpu.core_type<tc>, window_params = [{transform_indices = @transform_0, window_bounds = array<i64: 3072, 85>}, {transform_indices = @transform_1, window_bounds = array<i64: 3072, 8>}, {transform_indices = @transform_2, window_bounds = array<i64: 3072, 1>}, {transform_indices = @transform_3, window_bounds = array<i64: 1>}, {transform_indices = @transform_4, window_bounds = array<i64: 1, 1, 4>}]} {
    %get3A = arith.constant 0 : index
    %get3A_0 = arith.constant 0 : index
    %get3A_1 = vector.load %arg1[%get3A, %get3A_0] : memref<3072x85xf32, #tpu.memory_space<vmem>>, vector<3072x85xf32>
    %get3A_2 = arith.constant 0 : index
    %get3A_3 = arith.constant 0 : index
    %get3A_4 = vector.load %arg2[%get3A_2, %get3A_3] : memref<3072x8xf32, #tpu.memory_space<vmem>>, vector<3072x1xf32>
    %get3A_5 = arith.constant 0 : index
    %get3A_6 = arith.constant 1 : index
    %get3A_7 = vector.load %arg2[%get3A_5, %get3A_6] : memref<3072x8xf32, #tpu.memory_space<vmem>>, vector<3072x1xf32>
    %get3A_8 = arith.constant 0 : index
    %get3A_9 = arith.constant 2 : index
    %get3A_10 = vector.load %arg2[%get3A_8, %get3A_9] : memref<3072x8xf32, #tpu.memory_space<vmem>>, vector<3072x1xf32>
    %get3A_11 = arith.constant 0 : index
    %get3A_12 = arith.constant 3 : index
    %get3A_13 = vector.load %arg2[%get3A_11, %get3A_12] : memref<3072x8xf32, #tpu.memory_space<vmem>>, vector<3072x1xf32>
    %get3A_14 = arith.constant 0 : index
    %get3A_15 = arith.constant 4 : index
    %get3A_16 = vector.load %arg2[%get3A_14, %get3A_15] : memref<3072x8xf32, #tpu.memory_space<vmem>>, vector<3072x1xf32>
    %get3A_17 = arith.constant 0 : index
    %get3A_18 = arith.constant 5 : index
    %get3A_19 = vector.load %arg2[%get3A_17, %get3A_18] : memref<3072x8xf32, #tpu.memory_space<vmem>>, vector<3072x1xf32>
    %get3A_20 = arith.constant 0 : index
    %get3A_21 = arith.constant 6 : index
    %get3A_22 = vector.load %arg2[%get3A_20, %get3A_21] : memref<3072x8xf32, #tpu.memory_space<vmem>>, vector<3072x1xf32>
    %get3A_23 = arith.constant 0 : index
    %get3A_24 = arith.constant 7 : index
    %get3A_25 = vector.load %arg2[%get3A_23, %get3A_24] : memref<3072x8xf32, #tpu.memory_space<vmem>>, vector<3072x1xf32>
    %get3A_26 = arith.constant 0 : index
    %get3A_27 = memref.load %arg4[%get3A_26] : memref<1xf32, #tpu.memory_space<smem>>
    %slice3A = vector.extract_strided_slice %get3A_1 {offsets = [0, 0], sizes = [3072, 1], strides = [1, 1]} : vector<3072x85xf32> to vector<3072x1xf32>
    %neg3A = arith.constant 0.000000e+00 : f32
    %neg3A_28 = vector.broadcast %neg3A : f32 to vector<3072x1xf32>
    %neg3A_29 = arith.subf %neg3A_28, %slice3A : vector<3072x1xf32>
    %exp3A = math.exp %neg3A_29 : vector<3072x1xf32>
    %add3A = arith.constant 1.000000e+00 : f32
    %add3A_30 = vector.broadcast %add3A : f32 to vector<3072x1xf32>
    %add3A_31 = arith.addf %add3A_30, %exp3A : vector<3072x1xf32>
    %div3A = arith.constant 1.000000e+00 : f32
    %div3A_32 = vector.broadcast %div3A : f32 to vector<3072x1xf32>
    %div3A_33 = arith.divf %div3A_32, %add3A_31 : vector<3072x1xf32>
    %mul3A = arith.constant 2.000000e+00 : f32
    %mul3A_34 = vector.broadcast %mul3A : f32 to vector<3072x1xf32>
    %mul3A_35 = arith.mulf %div3A_33, %mul3A_34 : vector<3072x1xf32>
    %sub3A = arith.constant 5.000000e-01 : f32
    %sub3A_36 = vector.broadcast %sub3A : f32 to vector<3072x1xf32>
    %sub3A_37 = arith.subf %mul3A_35, %sub3A_36 : vector<3072x1xf32>
    %slice3A_38 = vector.extract_strided_slice %get3A_1 {offsets = [0, 1], sizes = [3072, 1], strides = [1, 1]} : vector<3072x85xf32> to vector<3072x1xf32>
    %neg3A_39 = arith.constant 0.000000e+00 : f32
    %neg3A_40 = vector.broadcast %neg3A_39 : f32 to vector<3072x1xf32>
    %neg3A_41 = arith.subf %neg3A_40, %slice3A_38 : vector<3072x1xf32>
    %exp3A_42 = math.exp %neg3A_41 : vector<3072x1xf32>
    %add3A_43 = arith.constant 1.000000e+00 : f32
    %add3A_44 = vector.broadcast %add3A_43 : f32 to vector<3072x1xf32>
    %add3A_45 = arith.addf %add3A_44, %exp3A_42 : vector<3072x1xf32>
    %div3A_46 = arith.constant 1.000000e+00 : f32
    %div3A_47 = vector.broadcast %div3A_46 : f32 to vector<3072x1xf32>
    %div3A_48 = arith.divf %div3A_47, %add3A_45 : vector<3072x1xf32>
    %mul3A_49 = arith.constant 2.000000e+00 : f32
    %mul3A_50 = vector.broadcast %mul3A_49 : f32 to vector<3072x1xf32>
    %mul3A_51 = arith.mulf %div3A_48, %mul3A_50 : vector<3072x1xf32>
    %sub3A_52 = arith.constant 5.000000e-01 : f32
    %sub3A_53 = vector.broadcast %sub3A_52 : f32 to vector<3072x1xf32>
    %sub3A_54 = arith.subf %mul3A_51, %sub3A_53 : vector<3072x1xf32>
    %slice3A_55 = vector.extract_strided_slice %get3A_1 {offsets = [0, 2], sizes = [3072, 1], strides = [1, 1]} : vector<3072x85xf32> to vector<3072x1xf32>
    %neg3A_56 = arith.constant 0.000000e+00 : f32
    %neg3A_57 = vector.broadcast %neg3A_56 : f32 to vector<3072x1xf32>
    %neg3A_58 = arith.subf %neg3A_57, %slice3A_55 : vector<3072x1xf32>
    %exp3A_59 = math.exp %neg3A_58 : vector<3072x1xf32>
    %add3A_60 = arith.constant 1.000000e+00 : f32
    %add3A_61 = vector.broadcast %add3A_60 : f32 to vector<3072x1xf32>
    %add3A_62 = arith.addf %add3A_61, %exp3A_59 : vector<3072x1xf32>
    %div3A_63 = arith.constant 1.000000e+00 : f32
    %div3A_64 = vector.broadcast %div3A_63 : f32 to vector<3072x1xf32>
    %div3A_65 = arith.divf %div3A_64, %add3A_62 : vector<3072x1xf32>
    %mul3A_66 = arith.constant 2.000000e+00 : f32
    %mul3A_67 = vector.broadcast %mul3A_66 : f32 to vector<3072x1xf32>
    %mul3A_68 = arith.mulf %div3A_65, %mul3A_67 : vector<3072x1xf32>
    %integer_pow3A = arith.mulf %mul3A_68, %mul3A_68 : vector<3072x1xf32>
    %mul3A_69 = arith.mulf %integer_pow3A, %get3A_16 : vector<3072x1xf32>
    %slice3A_70 = vector.extract_strided_slice %get3A_1 {offsets = [0, 3], sizes = [3072, 1], strides = [1, 1]} : vector<3072x85xf32> to vector<3072x1xf32>
    %neg3A_71 = arith.constant 0.000000e+00 : f32
    %neg3A_72 = vector.broadcast %neg3A_71 : f32 to vector<3072x1xf32>
    %neg3A_73 = arith.subf %neg3A_72, %slice3A_70 : vector<3072x1xf32>
    %exp3A_74 = math.exp %neg3A_73 : vector<3072x1xf32>
    %add3A_75 = arith.constant 1.000000e+00 : f32
    %add3A_76 = vector.broadcast %add3A_75 : f32 to vector<3072x1xf32>
    %add3A_77 = arith.addf %add3A_76, %exp3A_74 : vector<3072x1xf32>
    %div3A_78 = arith.constant 1.000000e+00 : f32
    %div3A_79 = vector.broadcast %div3A_78 : f32 to vector<3072x1xf32>
    %div3A_80 = arith.divf %div3A_79, %add3A_77 : vector<3072x1xf32>
    %mul3A_81 = arith.constant 2.000000e+00 : f32
    %mul3A_82 = vector.broadcast %mul3A_81 : f32 to vector<3072x1xf32>
    %mul3A_83 = arith.mulf %div3A_80, %mul3A_82 : vector<3072x1xf32>
    %integer_pow3A_84 = arith.mulf %mul3A_83, %mul3A_83 : vector<3072x1xf32>
    %mul3A_85 = arith.mulf %integer_pow3A_84, %get3A_19 : vector<3072x1xf32>
    %mul3A_86 = arith.constant 5.000000e-01 : f32
    %mul3A_87 = vector.broadcast %mul3A_86 : f32 to vector<3072x1xf32>
    %mul3A_88 = arith.mulf %mul3A_69, %mul3A_87 : vector<3072x1xf32>
    %sub3A_89 = arith.subf %sub3A_37, %mul3A_88 : vector<3072x1xf32>
    %mul3A_90 = arith.constant 5.000000e-01 : f32
    %mul3A_91 = vector.broadcast %mul3A_90 : f32 to vector<3072x1xf32>
    %mul3A_92 = arith.mulf %mul3A_69, %mul3A_91 : vector<3072x1xf32>
    %add3A_93 = arith.addf %sub3A_37, %mul3A_92 : vector<3072x1xf32>
    %mul3A_94 = arith.constant 5.000000e-01 : f32
    %mul3A_95 = vector.broadcast %mul3A_94 : f32 to vector<3072x1xf32>
    %mul3A_96 = arith.mulf %mul3A_85, %mul3A_95 : vector<3072x1xf32>
    %sub3A_97 = arith.subf %sub3A_54, %mul3A_96 : vector<3072x1xf32>
    %mul3A_98 = arith.constant 5.000000e-01 : f32
    %mul3A_99 = vector.broadcast %mul3A_98 : f32 to vector<3072x1xf32>
    %mul3A_100 = arith.mulf %mul3A_85, %mul3A_99 : vector<3072x1xf32>
    %add3A_101 = arith.addf %sub3A_54, %mul3A_100 : vector<3072x1xf32>
    %mul3A_102 = arith.constant 5.000000e-01 : f32
    %mul3A_103 = vector.broadcast %mul3A_102 : f32 to vector<3072x1xf32>
    %mul3A_104 = arith.mulf %get3A_10, %mul3A_103 : vector<3072x1xf32>
    %sub3A_105 = arith.subf %get3A_4, %mul3A_104 : vector<3072x1xf32>
    %mul3A_106 = arith.constant 5.000000e-01 : f32
    %mul3A_107 = vector.broadcast %mul3A_106 : f32 to vector<3072x1xf32>
    %mul3A_108 = arith.mulf %get3A_10, %mul3A_107 : vector<3072x1xf32>
    %add3A_109 = arith.addf %get3A_4, %mul3A_108 : vector<3072x1xf32>
    %mul3A_110 = arith.constant 5.000000e-01 : f32
    %mul3A_111 = vector.broadcast %mul3A_110 : f32 to vector<3072x1xf32>
    %mul3A_112 = arith.mulf %get3A_13, %mul3A_111 : vector<3072x1xf32>
    %sub3A_113 = arith.subf %get3A_7, %mul3A_112 : vector<3072x1xf32>
    %mul3A_114 = arith.constant 5.000000e-01 : f32
    %mul3A_115 = vector.broadcast %mul3A_114 : f32 to vector<3072x1xf32>
    %mul3A_116 = arith.mulf %get3A_13, %mul3A_115 : vector<3072x1xf32>
    %add3A_117 = arith.addf %get3A_7, %mul3A_116 : vector<3072x1xf32>
    %min3A = arith.minimumf %add3A_93, %add3A_109 : vector<3072x1xf32>
    %max3A = arith.maximumf %sub3A_89, %sub3A_105 : vector<3072x1xf32>
    %sub3A_118 = arith.subf %min3A, %max3A : vector<3072x1xf32>
    %jit3A = arith.constant 0.000000e+00 : f32
    %max3A_119 = vector.broadcast %jit3A : f32 to vector<3072x1xf32>
    %max3A_120 = arith.maximumf %max3A_119, %sub3A_118 : vector<3072x1xf32>
    %min3A_121 = arith.minimumf %add3A_101, %add3A_117 : vector<3072x1xf32>
    %max3A_122 = arith.maximumf %sub3A_97, %sub3A_113 : vector<3072x1xf32>
    %sub3A_123 = arith.subf %min3A_121, %max3A_122 : vector<3072x1xf32>
    %jit3A_124 = arith.constant 0.000000e+00 : f32
    %max3A_125 = vector.broadcast %jit3A_124 : f32 to vector<3072x1xf32>
    %max3A_126 = arith.maximumf %max3A_125, %sub3A_123 : vector<3072x1xf32>
    %mul3A_127 = arith.mulf %max3A_120, %max3A_126 : vector<3072x1xf32>
    %mul3A_128 = arith.mulf %mul3A_69, %mul3A_85 : vector<3072x1xf32>
    %mul3A_129 = arith.mulf %get3A_10, %get3A_13 : vector<3072x1xf32>
    %add3A_130 = arith.addf %mul3A_128, %mul3A_129 : vector<3072x1xf32>
    %sub3A_131 = arith.subf %add3A_130, %mul3A_127 : vector<3072x1xf32>
    %add3A_132 = arith.constant 9.99999971E-10 : f32
    %add3A_133 = vector.broadcast %add3A_132 : f32 to vector<3072x1xf32>
    %add3A_134 = arith.addf %sub3A_131, %add3A_133 : vector<3072x1xf32>
    %div3A_135 = arith.divf %mul3A_127, %add3A_134 : vector<3072x1xf32>
    %max3A_136 = arith.maximumf %add3A_93, %add3A_109 : vector<3072x1xf32>
    %min3A_137 = arith.minimumf %sub3A_89, %sub3A_105 : vector<3072x1xf32>
    %sub3A_138 = arith.subf %max3A_136, %min3A_137 : vector<3072x1xf32>
    %max3A_139 = arith.maximumf %add3A_101, %add3A_117 : vector<3072x1xf32>
    %min3A_140 = arith.minimumf %sub3A_97, %sub3A_113 : vector<3072x1xf32>
    %sub3A_141 = arith.subf %max3A_139, %min3A_140 : vector<3072x1xf32>
    %integer_pow3A_142 = arith.mulf %sub3A_138, %sub3A_138 : vector<3072x1xf32>
    %integer_pow3A_143 = arith.mulf %sub3A_141, %sub3A_141 : vector<3072x1xf32>
    %add3A_144 = arith.addf %integer_pow3A_142, %integer_pow3A_143 : vector<3072x1xf32>
    %add3A_145 = arith.constant 9.99999971E-10 : f32
    %add3A_146 = vector.broadcast %add3A_145 : f32 to vector<3072x1xf32>
    %add3A_147 = arith.addf %add3A_144, %add3A_146 : vector<3072x1xf32>
    %add3A_148 = arith.addf %sub3A_105, %add3A_109 : vector<3072x1xf32>
    %sub3A_149 = arith.subf %add3A_148, %sub3A_89 : vector<3072x1xf32>
    %sub3A_150 = arith.subf %sub3A_149, %add3A_93 : vector<3072x1xf32>
    %integer_pow3A_151 = arith.mulf %sub3A_150, %sub3A_150 : vector<3072x1xf32>
    %add3A_152 = arith.addf %sub3A_113, %add3A_117 : vector<3072x1xf32>
    %sub3A_153 = arith.subf %add3A_152, %sub3A_97 : vector<3072x1xf32>
    %sub3A_154 = arith.subf %sub3A_153, %add3A_101 : vector<3072x1xf32>
    %integer_pow3A_155 = arith.mulf %sub3A_154, %sub3A_154 : vector<3072x1xf32>
    %add3A_156 = arith.addf %integer_pow3A_151, %integer_pow3A_155 : vector<3072x1xf32>
    %div3A_157 = arith.constant 4.000000e+00 : f32
    %div3A_158 = vector.broadcast %div3A_157 : f32 to vector<3072x1xf32>
    %div3A_159 = arith.divf %add3A_156, %div3A_158 : vector<3072x1xf32>
    %add3A_160 = arith.constant 9.99999971E-10 : f32
    %add3A_161 = vector.broadcast %add3A_160 : f32 to vector<3072x1xf32>
    %add3A_162 = arith.addf %get3A_13, %add3A_161 : vector<3072x1xf32>
    %div3A_163 = arith.divf %get3A_10, %add3A_162 : vector<3072x1xf32>
    %gt3A = arith.constant 2.41421366 : f32
    %gt3A_164 = vector.broadcast %gt3A : f32 to vector<3072x1xf32>
    %gt3A_165 = arith.cmpf ogt, %div3A_163, %gt3A_164 : vector<3072x1xf32>
    %gt3A_166 = arith.constant 0.414213568 : f32
    %gt3A_167 = vector.broadcast %gt3A_166 : f32 to vector<3072x1xf32>
    %gt3A_168 = arith.cmpf ogt, %div3A_163, %gt3A_167 : vector<3072x1xf32>
    %max3A_169 = arith.constant 1.000000e-30 : f32
    %max3A_170 = vector.broadcast %max3A_169 : f32 to vector<3072x1xf32>
    %max3A_171 = arith.maximumf %div3A_163, %max3A_170 : vector<3072x1xf32>
    %div3A_172 = arith.constant -1.000000e+00 : f32
    %div3A_173 = vector.broadcast %div3A_172 : f32 to vector<3072x1xf32>
    %div3A_174 = arith.divf %div3A_173, %max3A_171 : vector<3072x1xf32>
    %sub3A_175 = arith.constant 1.000000e+00 : f32
    %sub3A_176 = vector.broadcast %sub3A_175 : f32 to vector<3072x1xf32>
    %sub3A_177 = arith.subf %div3A_163, %sub3A_176 : vector<3072x1xf32>
    %add3A_178 = arith.constant 1.000000e+00 : f32
    %add3A_179 = vector.broadcast %add3A_178 : f32 to vector<3072x1xf32>
    %add3A_180 = arith.addf %div3A_163, %add3A_179 : vector<3072x1xf32>
    %div3A_181 = arith.divf %sub3A_177, %add3A_180 : vector<3072x1xf32>
    %select_n3A = arith.select %gt3A_168, %div3A_181, %div3A_163 : vector<3072x1xi1>, vector<3072x1xf32>
    %select_n3A_182 = arith.select %gt3A_165, %div3A_174, %select_n3A : vector<3072x1xi1>, vector<3072x1xf32>
    %mul3A_183 = arith.mulf %select_n3A_182, %select_n3A_182 : vector<3072x1xf32>
    %mul3A_184 = arith.constant 0.0805374458 : f32
    %mul3A_185 = vector.broadcast %mul3A_184 : f32 to vector<3072x1xf32>
    %mul3A_186 = arith.mulf %mul3A_185, %mul3A_183 : vector<3072x1xf32>
    %sub3A_187 = arith.constant 0.138776854 : f32
    %sub3A_188 = vector.broadcast %sub3A_187 : f32 to vector<3072x1xf32>
    %sub3A_189 = arith.subf %mul3A_186, %sub3A_188 : vector<3072x1xf32>
    %mul3A_190 = arith.mulf %sub3A_189, %mul3A_183 : vector<3072x1xf32>
    %add3A_191 = arith.constant 0.199777111 : f32
    %add3A_192 = vector.broadcast %add3A_191 : f32 to vector<3072x1xf32>
    %add3A_193 = arith.addf %mul3A_190, %add3A_192 : vector<3072x1xf32>
    %mul3A_194 = arith.mulf %add3A_193, %mul3A_183 : vector<3072x1xf32>
    %sub3A_195 = arith.constant 0.333329499 : f32
    %sub3A_196 = vector.broadcast %sub3A_195 : f32 to vector<3072x1xf32>
    %sub3A_197 = arith.subf %mul3A_194, %sub3A_196 : vector<3072x1xf32>
    %mul3A_198 = arith.mulf %sub3A_197, %mul3A_183 : vector<3072x1xf32>
    %mul3A_199 = arith.mulf %mul3A_198, %select_n3A_182 : vector<3072x1xf32>
    %add3A_200 = arith.addf %mul3A_199, %select_n3A_182 : vector<3072x1xf32>
    %add3A_201 = arith.constant 1.57079637 : f32
    %add3A_202 = vector.broadcast %add3A_201 : f32 to vector<3072x1xf32>
    %add3A_203 = arith.addf %add3A_202, %add3A_200 : vector<3072x1xf32>
    %add3A_204 = arith.constant 0.785398185 : f32
    %add3A_205 = vector.broadcast %add3A_204 : f32 to vector<3072x1xf32>
    %add3A_206 = arith.addf %add3A_205, %add3A_200 : vector<3072x1xf32>
    %select_n3A_207 = arith.select %gt3A_168, %add3A_206, %add3A_200 : vector<3072x1xi1>, vector<3072x1xf32>
    %select_n3A_208 = arith.select %gt3A_165, %add3A_203, %select_n3A_207 : vector<3072x1xi1>, vector<3072x1xf32>
    %add3A_209 = arith.constant 9.99999971E-10 : f32
    %add3A_210 = vector.broadcast %add3A_209 : f32 to vector<3072x1xf32>
    %add3A_211 = arith.addf %mul3A_85, %add3A_210 : vector<3072x1xf32>
    %div3A_212 = arith.divf %mul3A_69, %add3A_211 : vector<3072x1xf32>
    %gt3A_213 = arith.constant 2.41421366 : f32
    %gt3A_214 = vector.broadcast %gt3A_213 : f32 to vector<3072x1xf32>
    %gt3A_215 = arith.cmpf ogt, %div3A_212, %gt3A_214 : vector<3072x1xf32>
    %gt3A_216 = arith.constant 0.414213568 : f32
    %gt3A_217 = vector.broadcast %gt3A_216 : f32 to vector<3072x1xf32>
    %gt3A_218 = arith.cmpf ogt, %div3A_212, %gt3A_217 : vector<3072x1xf32>
    %max3A_219 = arith.constant 1.000000e-30 : f32
    %max3A_220 = vector.broadcast %max3A_219 : f32 to vector<3072x1xf32>
    %max3A_221 = arith.maximumf %div3A_212, %max3A_220 : vector<3072x1xf32>
    %div3A_222 = arith.constant -1.000000e+00 : f32
    %div3A_223 = vector.broadcast %div3A_222 : f32 to vector<3072x1xf32>
    %div3A_224 = arith.divf %div3A_223, %max3A_221 : vector<3072x1xf32>
    %sub3A_225 = arith.constant 1.000000e+00 : f32
    %sub3A_226 = vector.broadcast %sub3A_225 : f32 to vector<3072x1xf32>
    %sub3A_227 = arith.subf %div3A_212, %sub3A_226 : vector<3072x1xf32>
    %add3A_228 = arith.constant 1.000000e+00 : f32
    %add3A_229 = vector.broadcast %add3A_228 : f32 to vector<3072x1xf32>
    %add3A_230 = arith.addf %div3A_212, %add3A_229 : vector<3072x1xf32>
    %div3A_231 = arith.divf %sub3A_227, %add3A_230 : vector<3072x1xf32>
    %select_n3A_232 = arith.select %gt3A_218, %div3A_231, %div3A_212 : vector<3072x1xi1>, vector<3072x1xf32>
    %select_n3A_233 = arith.select %gt3A_215, %div3A_224, %select_n3A_232 : vector<3072x1xi1>, vector<3072x1xf32>
    %mul3A_234 = arith.mulf %select_n3A_233, %select_n3A_233 : vector<3072x1xf32>
    %mul3A_235 = arith.constant 0.0805374458 : f32
    %mul3A_236 = vector.broadcast %mul3A_235 : f32 to vector<3072x1xf32>
    %mul3A_237 = arith.mulf %mul3A_236, %mul3A_234 : vector<3072x1xf32>
    %sub3A_238 = arith.constant 0.138776854 : f32
    %sub3A_239 = vector.broadcast %sub3A_238 : f32 to vector<3072x1xf32>
    %sub3A_240 = arith.subf %mul3A_237, %sub3A_239 : vector<3072x1xf32>
    %mul3A_241 = arith.mulf %sub3A_240, %mul3A_234 : vector<3072x1xf32>
    %add3A_242 = arith.constant 0.199777111 : f32
    %add3A_243 = vector.broadcast %add3A_242 : f32 to vector<3072x1xf32>
    %add3A_244 = arith.addf %mul3A_241, %add3A_243 : vector<3072x1xf32>
    %mul3A_245 = arith.mulf %add3A_244, %mul3A_234 : vector<3072x1xf32>
    %sub3A_246 = arith.constant 0.333329499 : f32
    %sub3A_247 = vector.broadcast %sub3A_246 : f32 to vector<3072x1xf32>
    %sub3A_248 = arith.subf %mul3A_245, %sub3A_247 : vector<3072x1xf32>
    %mul3A_249 = arith.mulf %sub3A_248, %mul3A_234 : vector<3072x1xf32>
    %mul3A_250 = arith.mulf %mul3A_249, %select_n3A_233 : vector<3072x1xf32>
    %add3A_251 = arith.addf %mul3A_250, %select_n3A_233 : vector<3072x1xf32>
    %add3A_252 = arith.constant 1.57079637 : f32
    %add3A_253 = vector.broadcast %add3A_252 : f32 to vector<3072x1xf32>
    %add3A_254 = arith.addf %add3A_253, %add3A_251 : vector<3072x1xf32>
    %add3A_255 = arith.constant 0.785398185 : f32
    %add3A_256 = vector.broadcast %add3A_255 : f32 to vector<3072x1xf32>
    %add3A_257 = arith.addf %add3A_256, %add3A_251 : vector<3072x1xf32>
    %select_n3A_258 = arith.select %gt3A_218, %add3A_257, %add3A_251 : vector<3072x1xi1>, vector<3072x1xf32>
    %select_n3A_259 = arith.select %gt3A_215, %add3A_254, %select_n3A_258 : vector<3072x1xi1>, vector<3072x1xf32>
    %sub3A_260 = arith.subf %select_n3A_208, %select_n3A_259 : vector<3072x1xf32>
    %integer_pow3A_261 = arith.mulf %sub3A_260, %sub3A_260 : vector<3072x1xf32>
    %mul3A_262 = arith.constant 0.405284733 : f32
    %mul3A_263 = vector.broadcast %mul3A_262 : f32 to vector<3072x1xf32>
    %mul3A_264 = arith.mulf %mul3A_263, %integer_pow3A_261 : vector<3072x1xf32>
    %sub3A_265 = arith.constant 1.000000e+00 : f32
    %sub3A_266 = vector.broadcast %sub3A_265 : f32 to vector<3072x1xf32>
    %sub3A_267 = arith.subf %sub3A_266, %div3A_135 : vector<3072x1xf32>
    %add3A_268 = arith.addf %sub3A_267, %mul3A_264 : vector<3072x1xf32>
    %add3A_269 = arith.constant 9.99999971E-10 : f32
    %add3A_270 = vector.broadcast %add3A_269 : f32 to vector<3072x1xf32>
    %add3A_271 = arith.addf %add3A_268, %add3A_270 : vector<3072x1xf32>
    %div3A_272 = arith.divf %mul3A_264, %add3A_271 : vector<3072x1xf32>
    %div3A_273 = arith.divf %div3A_159, %add3A_147 : vector<3072x1xf32>
    %mul3A_274 = arith.mulf %mul3A_264, %div3A_272 : vector<3072x1xf32>
    %add3A_275 = arith.addf %div3A_273, %mul3A_274 : vector<3072x1xf32>
    %sub3A_276 = arith.subf %div3A_135, %add3A_275 : vector<3072x1xf32>
    %sub3A_277 = arith.constant 1.000000e+00 : f32
    %sub3A_278 = vector.broadcast %sub3A_277 : f32 to vector<3072x1xf32>
    %sub3A_279 = arith.subf %sub3A_278, %sub3A_276 : vector<3072x1xf32>
    %mul3A_280 = arith.mulf %get3A_22, %sub3A_279 : vector<3072x1xf32>
    %reduce_sum3A = vector.shape_cast %mul3A_280 : vector<3072x1xf32> to vector<1x3072x1xf32>
    %reduce_sum3A_281 = arith.constant dense<0.000000e+00> : vector<1xf32>
    %reduce_sum3A_282 = vector.multi_reduction <add>, %reduce_sum3A, %reduce_sum3A_281 [1, 2] : vector<1x3072x1xf32> to vector<1xf32>
    %reduce_sum3A_283 = vector.shape_cast %reduce_sum3A_282 : vector<1xf32> to vector<1x1x1xf32>
    %reduce_sum3A_284 = vector.extract %reduce_sum3A_283[0, 0, 0] : f32 from vector<1x1x1xf32>
    %sub3A_285 = arith.constant 1.000000e+00 : f32
    %sub3A_286 = arith.subf %sub3A_285, %get3A_27 : f32
    %jit3A_287 = arith.constant 0.000000e+00 : f32
    %max3A_288 = vector.broadcast %jit3A_287 : f32 to vector<3072x1xf32>
    %max3A_289 = arith.maximumf %max3A_288, %sub3A_276 : vector<3072x1xf32>
    %mul3A_290 = vector.broadcast %get3A_27 : f32 to vector<3072x1xf32>
    %mul3A_291 = arith.mulf %mul3A_290, %max3A_289 : vector<3072x1xf32>
    %add3A_292 = vector.broadcast %sub3A_286 : f32 to vector<3072x1xf32>
    %add3A_293 = arith.addf %add3A_292, %mul3A_291 : vector<3072x1xf32>
    %get3A_294 = arith.constant 0 : index
    %get3A_295 = arith.constant 0 : index
    %get3A_296 = vector.load %arg3[%get3A_294, %get3A_295] : memref<3072x1xf32, #tpu.memory_space<vmem>>, vector<3072x1xf32>
    %gt3A_297 = arith.constant 0.000000e+00 : f32
    %gt3A_298 = vector.broadcast %gt3A_297 : f32 to vector<3072x1xf32>
    %gt3A_299 = arith.cmpf ogt, %get3A_296, %gt3A_298 : vector<3072x1xf32>
    %gt3A_300 = arith.constant 0.000000e+00 : f32
    %gt3A_301 = vector.broadcast %gt3A_300 : f32 to vector<3072x1xf32>
    %gt3A_302 = arith.cmpf ogt, %get3A_22, %gt3A_301 : vector<3072x1xf32>
    %and3A = arith.andi %gt3A_299, %gt3A_302 : vector<3072x1xi1>
    %slice3A_303 = vector.extract_strided_slice %get3A_1 {offsets = [0, 4], sizes = [3072, 1], strides = [1, 1]} : vector<3072x85xf32> to vector<3072x1xf32>
    %mul3A_304 = arith.mulf %add3A_293, %slice3A_303 : vector<3072x1xf32>
    %jit3A_305 = arith.constant 0.000000e+00 : f32
    %broadcast_in_dim3A = vector.broadcast %jit3A_305 : f32 to vector<3072x1xf32>
    %select_n3A_306 = arith.select %and3A, %mul3A_304, %broadcast_in_dim3A : vector<3072x1xi1>, vector<3072x1xf32>
    %reduce_sum3A_307 = vector.shape_cast %select_n3A_306 : vector<3072x1xf32> to vector<1x3072x1xf32>
    %reduce_sum3A_308 = arith.constant dense<0.000000e+00> : vector<1xf32>
    %reduce_sum3A_309 = vector.multi_reduction <add>, %reduce_sum3A_307, %reduce_sum3A_308 [1, 2] : vector<1x3072x1xf32> to vector<1xf32>
    %reduce_sum3A_310 = vector.shape_cast %reduce_sum3A_309 : vector<1xf32> to vector<1x1x1xf32>
    %reduce_sum3A_311 = vector.extract %reduce_sum3A_310[0, 0, 0] : f32 from vector<1x1x1xf32>
    %slice3A_312 = vector.extract_strided_slice %get3A_1 {offsets = [0, 5], sizes = [3072, 80], strides = [1, 1]} : vector<3072x85xf32> to vector<3072x80xf32>
    %iota3A = tpu.iota {dimensions = array<i32: 1>} : vector<3072x80xi32>
    %convert_element_type3A = arith.fptosi %get3A_25 : vector<3072x1xf32> to vector<3072x1xi32>
    %eq3A = vector.broadcast %convert_element_type3A : vector<3072x1xi32> to vector<3072x80xi32>
    %eq3A_313 = arith.cmpi eq, %iota3A, %eq3A : vector<3072x80xi32>
    %jit3A_314 = arith.constant 0.000000e+00 : f32
    %broadcast_in_dim3A_315 = vector.broadcast %jit3A_314 : f32 to vector<3072x80xf32>
    %select_n3A_316 = arith.select %eq3A_313, %slice3A_312, %broadcast_in_dim3A_315 : vector<3072x80xi1>, vector<3072x80xf32>
    %reduce_sum3A_317 = arith.constant dense<0.000000e+00> : vector<3072xf32>
    %reduce_sum3A_318 = vector.multi_reduction <add>, %select_n3A_316, %reduce_sum3A_317 [1] : vector<3072x80xf32> to vector<3072xf32>
    %broadcast_in_dim3A_319 = vector.shape_cast %reduce_sum3A_318 : vector<3072xf32> to vector<3072x1xf32>
    %max3A_320 = arith.constant 0.000000e+00 : f32
    %max3A_321 = vector.broadcast %max3A_320 : f32 to vector<3072x80xf32>
    %max3A_322 = arith.maximumf %slice3A_312, %max3A_321 : vector<3072x80xf32>
    %abs3A = math.absf %slice3A_312 : vector<3072x80xf32>
    %neg3A_323 = arith.constant 0.000000e+00 : f32
    %neg3A_324 = vector.broadcast %neg3A_323 : f32 to vector<3072x80xf32>
    %neg3A_325 = arith.subf %neg3A_324, %abs3A : vector<3072x80xf32>
    %exp3A_326 = math.exp %neg3A_325 : vector<3072x80xf32>
    %add3A_327 = arith.constant 1.000000e+00 : f32
    %add3A_328 = vector.broadcast %add3A_327 : f32 to vector<3072x80xf32>
    %add3A_329 = arith.addf %add3A_328, %exp3A_326 : vector<3072x80xf32>
    %log3A = math.log %add3A_329 : vector<3072x80xf32>
    %add3A_330 = arith.addf %max3A_322, %log3A : vector<3072x80xf32>
    %reduce_sum3A_331 = arith.constant dense<0.000000e+00> : vector<3072xf32>
    %reduce_sum3A_332 = vector.multi_reduction <add>, %add3A_330, %reduce_sum3A_331 [1] : vector<3072x80xf32> to vector<3072xf32>
    %broadcast_in_dim3A_333 = vector.shape_cast %reduce_sum3A_332 : vector<3072xf32> to vector<3072x1xf32>
    %sub3A_334 = arith.subf %broadcast_in_dim3A_333, %broadcast_in_dim3A_319 : vector<3072x1xf32>
    %mul3A_335 = arith.mulf %get3A_22, %sub3A_334 : vector<3072x1xf32>
    %reduce_sum3A_336 = vector.shape_cast %mul3A_335 : vector<3072x1xf32> to vector<1x3072x1xf32>
    %reduce_sum3A_337 = arith.constant dense<0.000000e+00> : vector<1xf32>
    %reduce_sum3A_338 = vector.multi_reduction <add>, %reduce_sum3A_336, %reduce_sum3A_337 [1, 2] : vector<1x3072x1xf32> to vector<1xf32>
    %reduce_sum3A_339 = vector.shape_cast %reduce_sum3A_338 : vector<1xf32> to vector<1x1x1xf32>
    %reduce_sum3A_340 = vector.extract %reduce_sum3A_339[0, 0, 0] : f32 from vector<1x1x1xf32>
    %reduce_sum3A_341 = vector.shape_cast %get3A_22 : vector<3072x1xf32> to vector<1x3072x1xf32>
    %reduce_sum3A_342 = arith.constant dense<0.000000e+00> : vector<1xf32>
    %reduce_sum3A_343 = vector.multi_reduction <add>, %reduce_sum3A_341, %reduce_sum3A_342 [1, 2] : vector<1x3072x1xf32> to vector<1xf32>
    %reduce_sum3A_344 = vector.shape_cast %reduce_sum3A_343 : vector<1xf32> to vector<1x1x1xf32>
    %reduce_sum3A_345 = vector.extract %reduce_sum3A_344[0, 0, 0] : f32 from vector<1x1x1xf32>
    %swap3A = arith.constant 0 : index
    %swap3A_346 = arith.constant 0 : index
    %swap3A_347 = arith.constant 0 : index
    %swap3A_348 = memref.load %arg5[%swap3A, %swap3A_346, %swap3A_347] : memref<1x1x4xf32, #tpu.memory_space<smem>>
    memref.store %reduce_sum3A_284, %arg5[%swap3A, %swap3A_346, %swap3A_347] : memref<1x1x4xf32, #tpu.memory_space<smem>>
    %swap3A_349 = arith.constant 0 : index
    %swap3A_350 = arith.constant 0 : index
    %swap3A_351 = arith.constant 1 : index
    %swap3A_352 = memref.load %arg5[%swap3A_349, %swap3A_350, %swap3A_351] : memref<1x1x4xf32, #tpu.memory_space<smem>>
    memref.store %reduce_sum3A_340, %arg5[%swap3A_349, %swap3A_350, %swap3A_351] : memref<1x1x4xf32, #tpu.memory_space<smem>>
    %swap3A_353 = arith.constant 0 : index
    %swap3A_354 = arith.constant 0 : index
    %swap3A_355 = arith.constant 2 : index
    %swap3A_356 = memref.load %arg5[%swap3A_353, %swap3A_354, %swap3A_355] : memref<1x1x4xf32, #tpu.memory_space<smem>>
    memref.store %reduce_sum3A_345, %arg5[%swap3A_353, %swap3A_354, %swap3A_355] : memref<1x1x4xf32, #tpu.memory_space<smem>>
    %swap3A_357 = arith.constant 0 : index
    %swap3A_358 = arith.constant 0 : index
    %swap3A_359 = arith.constant 3 : index
    %swap3A_360 = memref.load %arg5[%swap3A_357, %swap3A_358, %swap3A_359] : memref<1x1x4xf32, #tpu.memory_space<smem>>
    memref.store %reduce_sum3A_311, %arg5[%swap3A_357, %swap3A_358, %swap3A_359] : memref<1x1x4xf32, #tpu.memory_space<smem>>
    return
  }
  func.func @transform_0(%arg0: i32) -> (i32, i32) {
    %c0_i32 = arith.constant 0 : i32
    %c0_i32_0 = arith.constant 0 : i32
    return %arg0, %c0_i32 : i32, i32
  }
  func.func @transform_1(%arg0: i32) -> (i32, i32) {
    %c0_i32 = arith.constant 0 : i32
    %c0_i32_0 = arith.constant 0 : i32
    return %arg0, %c0_i32 : i32, i32
  }
  func.func @transform_2(%arg0: i32) -> (i32, i32) {
    %c0_i32 = arith.constant 0 : i32
    %c0_i32_0 = arith.constant 0 : i32
    return %arg0, %c0_i32 : i32, i32
  }
  func.func @transform_3(%arg0: i32) -> i32 {
    %c0_i32 = arith.constant 0 : i32
    %c0_i32_0 = arith.constant 0 : i32
    return %c0_i32 : i32
  }
  func.func @transform_4(%arg0: i32) -> (i32, i32, i32) {
    %c0_i32 = arith.constant 0 : i32
    %c0_i32_0 = arith.constant 0 : i32
    %c0_i32_1 = arith.constant 0 : i32
    return %arg0, %c0_i32, %c0_i32_0 : i32, i32, i32
  }
}

</mosaic_0001>

<sc_bundles>
// kernel: gather_offload_async_start.1
scs
__scs_entry_jumppad:
0x0: {  	(pc) =	sbr.rel $0x88, $3  }
0x1: {  	(tag) =	ssettag $0x0;
	lr =	simm.s32 $0x1  }
0x2: {  	[smem:$0x3F9A] =	sst lr;
	_ =	strace $0xD0000000  }
0x3: {  	_ = 	snop  }
0x4: {  	_ = 	snop  }
0x5: {  	_ = 	snop  }
0x6: {  	_ = 	snop  }
0x7: {  	_ = 	snop  }
__scs_overlays_trampoline_lowered:
0x8: {  	[smem:$0x3FA9] =	sst s0  }
0x9: {  	[smem:$0x3FAA] =	sst s1  }
0xa: {  	[smem:$0x3FAB] =	sst s2  }
0xb: {  	[smem:$0x3FAC] =	sst s3  }
0xc: {  	[smem:$0x3FAD] =	sst s4  }
0xd: {  	[smem:$0x3FAE] =	sst s5  }
0xe: {  	[smem:$0x3FAF] =	sst s6  }
0xf: {  	[smem:$0x3FB0] =	sst s7  }
0x10: {  	[smem:$0x3FB1] =	sst s8  }
0x11: {  	[smem:$0x3FB2] =	sst s9;
	s0 =	simm.s32 @!p0 $0x0  }
0x12: {  	s1 =	sld [smem:$0x3F98];
	s0 =	simm.s32 @p0 $0x1  }
0x13: {  	[smem:$0x3FB3] =	sst s0;
	s0 =	simm.s32 @!p1 $0x0  }
0x14: {  	s2 =	sld [smem:$0x3F97];
	s0 =	simm.s32 @p1 $0x1  }
0x15: {  	[smem:$0x3FB4] =	sst s0;
	s0 =	simm.s32 @!p2 $0x0  }
0x16: {  	s3 =	sld [smem:$0x3FDB];
	s0 =	simm.s32 @p2 $0x1  }
0x17: {  	s4 =	simm.s32 $0x1BF5;
	[smem:$0x3FB6] =	sst s0  }
0x18: {  	s0 =	sld [smem:$0x3F99];
	_ =	swait.ge [sflag:s4], $0x0  }
0x19: {  	s7 =	sld [smem:$0x3F9A]  }
0x1a: {  	s8 =	sadd.s32 $0xFFFFE003, lr  }
0x1b: {  	s9 =	sadd.s32 $0xFFFFFEF7, lr;
	s5 =	simm.s32 $0xFFFFFFFF;
	p2 =	slt.u32 s8, $0xFFFFF086  }
0x1c: {  	p1 =	slt.u32 s9, $0xF7A;
	s5 =	simm.s32 @!p2 $0x0  }
0x1d: {  	s5 =	simm.s32 @p1 $0x1;
	p0 =	seq.s32 s7, s2  }
0x1e: {  	s7 =	smul.u32 @!p0 $0xF7A, s2;
	p2 =	seq.s32 @!p0 s5, $0x0  }
0x1f: {  	s9 =	smul.u32 $0xF7A, s1;
	s8 =	simm.s32 @!p0 $0x1BF5;
	p2 =	por !p2, p0  }
0x20: {  	[sflag:s8] =	ssyncset.s32 @!p0 $0xFFFFF086;
	s6 =	sadd.s32 @!p0 s3, s7;
	s7 =	simm.s32 @!p0 $0x108  }
0x21: {  	s3 =	sadd.s32 s3, s9;
	s6 =	sadd.s32 @!p0 $0x88, s6;
	s7 =	simm.s32 @p2 $0x1082  }
0x22: {  	[simem:s7], [sflag:s8] =	dma.local @!p0 [hbm:s6], $0xF7A  }
0x23: {  	s9 =	sor.u32 $0xD0000000, s2;
	s6 =	simm.s32 $0x108;
	_ =	swait.ge @!p0 [sflag:s8], $0x0  }
0x24: {  	s3 =	sadd.s32 $0x88, s3;
	s6 =	simm.s32 @!p1 $0x1082;
	[sflag:s4] =	ssyncset.s32 $0xFFFFF086  }
0x25: {  	[simem:s6], [sflag:s4] =	dma.local [hbm:s3], $0xF7A  }
0x26: {  	[smem:$0x3F9A] =	sst s1;
	(tag) =	ssettag s2;
	_ =	strace s9  }
0x27: {  	s1 =	sld [smem:$0x3FAA]  }
0x28: {  	s2 =	sld [smem:$0x3FAB]  }
0x29: {  	s4 =	sld [smem:$0x3FAD]  }
0x2a: {  	p0 =	seq.s32 s5, $0x0;
	s5 =	sld [smem:$0x3FAE]  }
0x2b: {  	s6 =	sld [smem:$0x3FAF]  }
0x2c: {  	s7 =	sld [smem:$0x3FB0]  }
0x2d: {  	s3 =	simm.s32 $0x108;
	s8 =	sld [smem:$0x3FB1]  }
0x2e: {  	s3 =	simm.s32 @!p0 $0x1082;
	s9 =	sld [smem:$0x3FB2]  }
0x2f: {  	lr =	sadd.s32 s0, s3;
	s0 =	sld [smem:$0x3FA9]  }
0x30: {  	s3 =	sld [smem:$0x3FAC]  }
0x31: {  	[smem:$0x3FB5] =	sst s10  }
0x32: {  	s10 =	sld [smem:$0x3FB3];
	_ =	sdelay $0x3  }
0x33: {  	p0 =	seq.s32 s10, $0x1;
	s10 =	sld [smem:$0x3FB5];
	_ =	sdelay $0x3  }
0x34: {  	[smem:$0x3FB5] =	sst s10  }
0x35: {  	s10 =	sld [smem:$0x3FB4];
	_ =	sdelay $0x3  }
0x36: {  	p1 =	seq.s32 s10, $0x1;
	s10 =	sld [smem:$0x3FB5];
	_ =	sdelay $0x3  }
0x37: {  	[smem:$0x3FB5] =	sst s10  }
0x38: {  	s10 =	sld [smem:$0x3FB6]  }
0x39: {  	_ = 	snop;
	(pc) =	sbr.ind lr, $3  }
0x3a: {  	_ = 	snop  }
0x3b: {  	_ = 	snop  }
0x3c: {  	p2 =	seq.s32 s10, $0x1;
	s10 =	sld [smem:$0x3FB5]  }
0x3d: {  	_ =	shalt  }
0x3e: {  	_ =	shalt  }
0x3f: {  	_ =	shalt  }
0x40: {  	_ =	shalt  }
0x41: {  	_ =	shalt  }
0x42: {  	_ =	shalt  }
0x43: {  	_ =	shalt  }
0x44: {  	_ =	shalt  }
0x45: {  	_ =	shalt  }
0x46: {  	_ =	shalt  }
0x47: {  	_ =	shalt  }
0x48: {  	_ =	shalt  }
0x49: {  	_ =	shalt  }
0x4a: {  	_ =	shalt  }
0x4b: {  	_ =	shalt  }
0x4c: {  	_ =	shalt  }
0x4d: {  	_ =	shalt  }
0x4e: {  	_ =	shalt  }
0x4f: {  	_ =	shalt  }
0x50: {  	_ =	shalt  }
0x51: {  	_ =	shalt  }
0x52: {  	_ =	shalt  }
0x53: {  	_ =	shalt  }
0x54: {  	_ =	shalt  }
0x55: {  	_ =	shalt  }
0x56: {  	_ =	shalt  }
0x57: {  	_ =	shalt  }
0x58: {  	_ =	shalt  }
0x59: {  	_ =	shalt  }
0x5a: {  	_ =	shalt  }
0x5b: {  	_ =	shalt  }
0x5c: {  	_ =	shalt  }
0x5d: {  	_ =	shalt  }
0x5e: {  	_ =	shalt  }
0x5f: {  	_ =	shalt  }
0x60: {  	_ =	shalt  }
0x61: {  	_ =	shalt  }
0x62: {  	_ =	shalt  }
0x63: {  	_ =	shalt  }
0x64: {  	_ =	shalt  }
0x65: {  	_ =	shalt  }
0x66: {  	_ =	shalt  }
0x67: {  	_ =	shalt  }
0x68: {  	_ =	shalt  }
0x69: {  	_ =	shalt  }
0x6a: {  	_ =	shalt  }
0x6b: {  	_ =	shalt  }
0x6c: {  	_ =	shalt  }
0x6d: {  	_ =	shalt  }
0x6e: {  	_ =	shalt  }
0x6f: {  	_ =	shalt  }
0x70: {  	_ =	shalt  }
0x71: {  	_ =	shalt  }
0x72: {  	_ =	shalt  }
0x73: {  	_ =	shalt  }
0x74: {  	_ =	shalt  }
0x75: {  	_ =	shalt  }
0x76: {  	_ =	shalt  }
0x77: {  	_ =	shalt  }
0x78: {  	_ =	shalt  }
0x79: {  	_ =	shalt  }
0x7a: {  	_ =	shalt  }
0x7b: {  	_ =	shalt  }
0x7c: {  	_ =	shalt  }
0x7d: {  	_ =	shalt  }
0x7e: {  	_ =	shalt  }
0x7f: {  	_ =	shalt  }
0x80: {  	_ =	shalt  }
0x81: {  	_ =	shalt  }
0x82: {  	_ =	shalt  }
0x83: {  	_ =	shalt  }
0x84: {  	_ =	shalt  }
0x85: {  	_ =	shalt  }
0x86: {  	_ =	shalt  }
0x87: {  	_ =	shalt  }
.Lfunc_end0:
.L_simem_size_0:
called_computation.1_lowered:
.L_overlay_start_0:
0x88: {  	s2 =	sld [smem:$0x3FD9]  }
0x89: {  	s3 =	sld [smem:$0x3FFE];
	_ =	sdelay $0x1  }
0x8a: {  	s1 =	srdreg.scid  }
0x8b: {  	s0 =	sand.u32 $0x1, s1  }
0x8c: {  	s17 =	sshll.u32 s0, $0xA;
	s2 =	sadd.s32 s3, s2  }
0x8d: {  	s2 =	sadd.s32 s2, s17  }
0x8e: {  	[smem:$0x3FC1] =	sst s2  }
0x8f: {  	_ = 	snop  }
0x90: {  	s18 =	sld [smem:$0x3FC9];
	(tm) =	ssettm $0x1  }
0x91: {  	s19 =	sld [smem:$0x3FFB];
	_ =	sdelay $0x3  }
0x92: {  	_ =	strace s19  }
0x93: {  	s2 =	sld [smem:$0x3FFC];
	_ =	sdelay $0x3  }
0x94: {  	_ =	strace s2  }
0x95: {  	s2 =	sld [smem:$0x3FFD];
	_ =	sdelay $0x3  }
0x96: {  	_ =	strace s2  }
0x97: {  	_ =	strace $0x8FFFFFFF  }
0x98: {  	s20 =	sld [smem:$0x3FDB];
	_ =	sdelay $0x1  }
0x99: {  	s4 =	simm.s32 $_scs_section_size  }
0x9a: {  	s5 =	simm.s32 $_size__tile_overlayer_lowered;
	s6 =	simm.s32 $_tile_overlayer_lowered  }
0x9b: {  	s7 =	simm.s32 $0x1BFF;
	s21 =	sshll.u32 s6, $0x1;
	s4 =	sadd.s32 s4, s20  }
0x9c: {  	s22 =	simm.s32 $0x0;
	s5 =	sshll.u32 s5, $0x1;
	s6 =	sadd.s32 s21, s4  }
0x9d: {  	[timem:s22], [sflag:s7] =	dma.local [hbm:s6], s5  }
0x9e: {  	_ =	swait.ge [sflag:s7], s5  }
0x9f: {  	s5 =	ssub.s32 $0x0, s5;
	[sflag:s7] =	ssyncset.done $0x0  }
0xa0: {  	[sflag:s7] =	ssyncadd.s32 s5;
	_ =	sdelay $0x1  }
0xa1: {  	s23 =	simm.s32 $0x1B8B  }
0xa2: {  	_ =	swait.ge [sflag:s23], $0x1  }
0xa3: {  	[sflag:s23] =	ssyncset.done $0x0  }
0xa4: {  	[sflag:s23] =	ssyncadd.s32 $0xFFFFFFFF  }
0xa5: {  	s5 =	sld [smem:$0x0]  }
0xa6: {  	s6 =	sand.u32 $0xFFFFFFFE, s1  }
0xa7: {  	p0 =	sne.s32 s1, s6  }
0xa8: {  	s6 =	sshll.u32 @p0 s6, $0xE  }
0xa9: {  	s6 =	sadd.s32 @p0 $0x11B8D, s6;
	s7 =	sshll.u32 @p0 s5, $0x11  }
0xaa: {  	s6 =	sor.u32 @p0 s7, s6  }
0xab: {  	[sflag:s6] =	ssyncadd.remote.s32 @p0 $0x1;
	_ =	sdelay $0x1  }
0xac: {  	s6 =	simm.s32 @p0 $0x1B8D  }
0xad: {  	_ =	swait.eq @p0 [sflag:s6], $0x1  }
0xae: {  	[sflag:s6] =	ssyncadd.s32 @p0 $0xFFFFFFFF  }
0xaf: {  	s7 =	sshll.u32 @!p0 s1, $0xE  }
0xb0: {  	s7 =	sor.u32 @!p0 $0x4000, s7;
	s6 =	simm.s32 @!p0 $0x1B8D  }
0xb1: {  	s5 =	sshll.u32 @!p0 s5, $0x11;
	s7 =	sadd.s32 @!p0 $0x11B8D, s7;
	_ =	swait.eq @!p0 [sflag:s6], $0x1  }
0xb2: {  	s5 =	sor.u32 @!p0 s5, s7;
	[sflag:s6] =	ssyncadd.s32 @!p0 $0xFFFFFFFF  }
0xb3: {  	s25 =	simm.s32 $0x1B8E;
	s24 =	sld [smem:$0x3FFE];
	[sflag:s5] =	ssyncadd.remote.s32 @!p0 $0x1  }
0xb4: {  	s26 =	simm.s32 $execute0_lowered;
	[smem:$0x3FD2] =	sst s25  }
0xb5: {  	s6 =	sshll.u32 s26, $0x1;
	_ =	strace $0x8000004F;
	[dreg:$0x1] =	wrdreg $0xFFFFFFFF  }
0xb6: {  	s28 =	simm.s32 $_size_execute0_lowered;
	s4 =	sadd.s32 s4, s6;
	[dreg:$0x0] =	wrdreg $0x0  }
0xb7: {  	s6 =	sshll.u32 s28, $0x1;
	[dreg:$0x2] =	wrdreg s4  }
0xb8: {  	[dreg:$0x3] =	wrdreg s6  }
0xb9: {  	[dreg:$0x4] =	wrdreg $0xC0  }
0xba: {  	_ =	task [dreg:s22], $0x5FFFF  }
0xbb: {  	[dreg:$0x1] =	wrdreg $0xFFFFFFFF  }
0xbc: {  	[dreg:$0x0] =	wrdreg $0x60  }
0xbd: {  	[dreg:$0x2] =	wrdreg s18  }
0xbe: {  	[dreg:$0x3] =	wrdreg s24  }
0xbf: {  	[dreg:$0x4] =	wrdreg $0xA  }
0xc0: {  	_ =	task.clear_ibuf [dreg:s22], $0x5FFFF;
	_ =	strace $0x9000004F  }
0xc1: {  	s29 =	simm.s32 $0xA;
	_ =	strace $0x80000051  }
0xc2: {  	_ =	swait.ge [sflag:s29], $0x1  }
0xc3: {  	[sflag:s29] =	ssyncadd.s32 $0xFFFFFFFF  }
0xc4: {  	_ =	strace $0x90000051  }
0xc5: {  	_ =	sfence  }
0xc6: {  	s30 =	sld [smem:$0x0];
	_ =	sdelay $0x2  }
0xc7: {  	s31 =	sshll.u32 s1, $0xD;
	s1 =	sshrl.u32 s1, $0x2  }
0xc8: {  	s4 =	sand.u32 $0x4000, s31;
	s1 =	sadd.s32 s1, s30  }
0xc9: {  	s0 =	sor.u32 s4, s0;
	s1 =	sshll.u32 s1, $0x11  }
0xca: {  	s0 =	sor.u32 s1, s0  }
0xcb: {  	s0 =	sadd.s32 $0x8F2B, s0  }
0xcc: {  	[sflag:s0] =	ssyncadd.remote.s32 $0x1  }
0xcd: {  	_ =	sfence.sel $0xFFFF  }
0xce: {  	[dreg:$0x0] =	wrdreg $0xFFFFFFFF;
	(pc) =	sbr.abs _section_cstart, $3  }
0xcf: {  	[dreg:$0x1] =	wrdreg $0xFFFFFFFF  }
0xd0: {  	_ =	task.clear_ibuf [dreg:s22], $0x2FFFF;
	_ =	strace $0x9FFFFFFF  }
0xd1: {  	(tm) =	ssettm $0x7FFFFFFF  }
tec
execute0_lowered:
.L_overlay_start_1:
0x0: {  	(tag) =	ssettag $0x1  }
0x1: {  	s2 =	rddreg [dreg:$0x0]  }
0x2: {  	s0 =	srdreg.scid;
	s7 =	rddreg [dreg:$0x1]  }
0x3: {  	s1 =	stileid.u32;
	s5 =	simm.s32 $0x2;
	s9 =	simm.s32 $0x3  }
0x4: {  	s3 =	sshll.u32 s0, $0x4;
	s0 =	rddreg [dreg:$0x2];
	_ =	strace $0x80000050  }
.Ltmp0:
0x5: {  	s4 =	sand.u32 $0x10, s3;
	s3 =	simm.s32 $0x1;
	(pc) =	sbr.rel .LBB2_1-.Ltmp0, $4  }
0x6: {  	s12 =	simm.s32 $0x0;
	s4 =	sor.u32 s1, s4;
	[sflag:s3] =	ssyncpa.u1 $0x0  }
0x7: {  	s10 =	simm.s32 $0x0;
	s4 =	smul.u32 $0x60, s4;
	[sflag:s5] =	ssyncpa.u1 $0x0  }
0x8: {  	s6 =	sadd.s32 $0x21C00, s7;
	s7 =	sadd.s32 $0x21E00, s7;
	[sflag:s9] =	ssyncpa.u1 $0x0  }
0x9: {  	vm0 =	vmmov $0xff;
	vm1 =	vcmask $0x3F20;
	s9 =	simm.s32 $0x60;
	s8 =	sadd.s32 $0x60, s4;
	s11 =	smov.u32 s4  }
.LBB2_10:
0xa: {  	s12 =	sshrl.u32 s11, $0x3  }
0xb: {  	s13 =	sand.u32 $0x7, s11;
	s12 =	sadd.s32 s6, s12  }
0xc: {  	[tilespmem:s9], [sflag:$0x2] =	stream.linear.gather [hbm4b:s12+s13], $0x60, $0x38;
	[tilespmem:$0x60C0] =	vst v63  }
.LBB2_8:
0xd: {  	s12 =	sadd.s32 $0x60, s11  }
0xe: {  	s13 =	smov.u32 s4;
	p0 =	slt.s32 s12, s8  }
0xf: {  	s13 =	smov.u32 @p0 s12  }
0x10: {  	s10 =	sadd.s32 $0x1, s10;
	s12 =	smov.u32 s11;
	s11 =	smov.u32 s13  }
.LBB2_1:
0x11: {  	p0 =	seq.s32 s10, $0x0  }
.Ltmp1:
0x12: {  	_ = 	snop;
	(pc) =	sbr.rel @p0 .LBB2_10-.Ltmp1, $1  }
0x13: {  	_ =	sdelay $0x3  }
0x14: {  	p0 =	seq.s32 s10, $0x1  }
.Ltmp2:
0x15: {  	_ = 	snop;
	(pc) =	sbr.rel @!p0 .LBB2_9-.Ltmp2, $1  }
0x16: {  	_ =	sdelay $0x3  }
0x17: {  	_ =	swait.ge [sflag:s5], $0x60  }
0x18: {  	[sflag:s5] =	ssyncset.done $0x0  }
0x19: {  	s13 =	simm.s32 $0x0;
	[sflag:s5] =	ssyncadd.s32 $0xFFFFFFA0  }
0x1a: {  	v0 =	vld.msk [tilespmem:s13+$0x60 ss:$0x1], $0xffff;
	_ =	sdelay $0x4  }
0x1b: {  	vm2 =	vgt.s32 v0, $0x0  }
0x1c: {  	v0 =	vnsel vm2, $0x0, v0  }
0x1d: {  	v0 =	vmin.u32 v0, $0x2FFFF  }
0x1e: {  	v0 =	vshll.u32 v0, $0x4;
	_ =	sdelay $0x3  }
0x1f: {  	s13 =	simm.s32 $0x30C0  }
0x20: {  	[tilespmem:s13], [sflag:$0x1] =	stream.indirect_vreg.gather [hbm:s2], $0x80, v0, vm0, $0x38;
	[tilespmem:$0x60C0] =	vst v63  }
0x21: {  	s14 =	simm.s32 $0x34C0;
	s31 =	simm.s32 $0x10  }
0x22: {  	[tilespmem:s14], [sflag:$0x1] =	stream.indirect_vreg.gather [hbm:s2], $0x80, v0, vm1, $0x38;
	[tilespmem:$0x60C0] =	vst v63  }
0x23: {  	s14 =	simm.s32 $0x80;
	v0 =	vld.msk [tilespmem:s31+$0x60 ss:$0x1], $0xffff  }
.LBB2_4:
0x24: {  	p0 =	sne.s32 s14, $0x140;
	_ =	sdelay $0x4  }
0x25: {  	vm2 =	vgt.s32 v0, $0x0  }
0x26: {  	v0 =	vnsel vm2, $0x0, v0  }
0x27: {  	v0 =	vmin.u32 v0, $0x2FFFF  }
0x28: {  	v0 =	vshll.u32 v0, $0x4;
	_ =	sdelay $0x3  }
.Ltmp3:
0x29: {  	s13 =	sadd.s32 $0x800, s13;
	(pc) =	sbr.rel @p0 .LBB2_4-.Ltmp3, $4  }
0x2a: {  	[tilespmem:s13], [sflag:$0x1] =	stream.indirect_vreg.gather [hbm:s2], $0x80, v0, vm0, $0x38;
	[tilespmem:$0x60C0] =	vst v63  }
0x2b: {  	s15 =	sshra.s32 s14, $0x2;
	s16 =	sadd.s32 $0x400, s13  }
0x2c: {  	[tilespmem:s16], [sflag:$0x1] =	stream.indirect_vreg.gather [hbm:s2], $0x80, v0, vm1, $0x38;
	[tilespmem:$0x60C0] =	vst v63  }
0x2d: {  	s14 =	sadd.s32 $0x40, s14;
	v0 =	vld.msk [tilespmem:s15+$0x60 ss:$0x1], $0xffff  }
0x2e: {  	_ =	sdelay $0x3  }
0x2f: {  	vm2 =	vgt.s32 v0, $0x0  }
0x30: {  	v0 =	vnsel vm2, $0x0, v0  }
0x31: {  	v0 =	vmin.u32 v0, $0x2FFFF  }
0x32: {  	v0 =	vshll.u32 v0, $0x4;
	_ =	sdelay $0x3  }
0x33: {  	s13 =	sadd.s32 $0x800, s13  }
0x34: {  	[tilespmem:s13], [sflag:$0x1] =	stream.indirect_vreg.gather [hbm:s2], $0x80, v0, vm0, $0x38;
	[tilespmem:$0x60C0] =	vst v63  }
0x35: {  	s13 =	sadd.s32 $0x400, s13  }
0x36: {  	[tilespmem:s13], [sflag:$0x1] =	stream.indirect_vreg.gather [hbm:s2], $0x80, v0, vm1, $0x38;
	[tilespmem:$0x60C0] =	vst v63  }
0x37: {  	s12 =	sshll.u32 s12, $0x4;
	s14 =	simm.s32 $0x80;
	_ =	swait.ge [sflag:s3], $0x3000  }
0x38: {  	s15 =	simm.s32 $0x34C0;
	s12 =	sadd.s32 s12, s7;
	[sflag:s3] =	ssyncset.done $0x0  }
0x39: {  	s16 =	sadd.s32 $0x0, s12;
	s13 =	simm.s32 $0x30C0;
	[sflag:s3] =	ssyncadd.s32 $0xFFFFD000  }
.LBB2_6:
0x3a: {  	[hbm:s16] =	stream.linear.scatter [tilespmem:s13], [sflag:$0x3], $0x400, $0x38;
	[tilespmem:$0x60C0] =	vst v63  }
0x3b: {  	s16 =	smov.u32 s14;
	s13 =	smov.u32 s15;
	p0 =	seq.s32 s14, $0x580  }
.Ltmp4:
0x3c: {  	s14 =	sadd.s32 $0x80, s14;
	(pc) =	sbr.rel @!p0 .LBB2_6-.Ltmp4, $2  }
0x3d: {  	_ =	sdelay $0x2  }
0x3e: {  	s15 =	sadd.s32 $0x400, s15;
	s16 =	sadd.s32 s16, s12  }
.Ltmp5:
0x3f: {  	(pc) =	sbr.rel .LBB2_8-.Ltmp5, $2  }
0x40: {  	_ =	sdelay $0x2  }
0x41: {  	[hbm:s16] =	stream.linear.scatter [tilespmem:s13], [sflag:$0x3], $0x400, $0x38;
	[tilespmem:$0x60C0] =	vst v63  }
.LBB2_9:
0x42: {  	s2 =	simm.s32 $0x3  }
0x43: {  	_ =	swait.ge [sflag:s2], $0x3000  }
0x44: {  	[sflag:s2] =	ssyncset.done $0x0  }
0x45: {  	[sflag:s2] =	ssyncadd.s32 $0xFFFFD000  }
0x46: {  	_ =	sfence.sel $0x180000  }
0x47: {  	s3 =	simm.s32 $0x2;
	[bflag:$0x0] =	sbarrier.arrive $0xFFFF  }
0x48: {  	[sflag:s3] =	ssyncpa.u1 $0x1  }
0x49: {  	s31 =	simm.s32 $0x1;
	[sflag:s2] =	ssyncpa.u1 $0x1  }
0x4a: {  	[sflag:s31] =	ssyncpa.u1 $0x1  }
0x4b: {  	p0 =	sne.s32 s1, $0x0;
	_ =	strace $0x90000050  }
0x4c: {  	s0 =	sadd.s32 @!p0 $0x100000, s0;
	[bflag:$0x2] =	sbarrier.arrive $0xFFFF  }
0x4d: {  	[sflag:s0] =	ssyncadd.tile.s32 @!p0 $0x1;
	_ =	shalt  }
.Lfunc_end2:
_tile_overlayer_lowered:
.L_overlay_start_2:
0x4e: {  	(tag) =	ssettag $0x2  }
0x4f: {  	s0 =	rddreg [dreg:$0x0];
	s2 =	stileid.u32  }
0x50: {  	s1 =	rddreg [dreg:$0x1];
	p0 =	sne.s32 s2, $0x0  }
0x51: {  	s3 =	rddreg [dreg:$0x2];
	[bflag:$0x3] =	sbarrier.arrive $0xFFFF;
	s2 =	simm.s32 @!p0 $0x1C01  }
0x52: {  	[timem:s3], [sflag:s2] =	dma.local @!p0 [hbm:s0], s1  }
0x53: {  	s0 =	simm.s32 @!p0 $0x1  }
0x54: {  	_ =	swait.ge @!p0 [sflag:s0], s1  }
0x55: {  	s1 =	ssub.s32 @!p0 $0x0, s1;
	[sflag:s0] =	ssyncset.done @!p0 $0x0  }
0x56: {  	[sflag:s0] =	ssyncadd.s32 @!p0 s1  }
0x57: {  	[bflag:$0x3] =	sbarrier.arrive $0xFFFF  }
0x58: {  	_ =	shalt  }

// kernel: gather_offload_async_start.2
scs
__scs_entry_jumppad:
0x0: {  	(pc) =	sbr.rel $0x88, $3  }
0x1: {  	(tag) =	ssettag $0x0;
	lr =	simm.s32 $0x1  }
0x2: {  	[smem:$0x3F9A] =	sst lr;
	_ =	strace $0xD0000000  }
0x3: {  	_ = 	snop  }
0x4: {  	_ = 	snop  }
0x5: {  	_ = 	snop  }
0x6: {  	_ = 	snop  }
0x7: {  	_ = 	snop  }
__scs_overlays_trampoline_lowered:
0x8: {  	[smem:$0x3FA9] =	sst s0  }
0x9: {  	[smem:$0x3FAA] =	sst s1  }
0xa: {  	[smem:$0x3FAB] =	sst s2  }
0xb: {  	[smem:$0x3FAC] =	sst s3  }
0xc: {  	[smem:$0x3FAD] =	sst s4  }
0xd: {  	[smem:$0x3FAE] =	sst s5  }
0xe: {  	[smem:$0x3FAF] =	sst s6  }
0xf: {  	[smem:$0x3FB0] =	sst s7  }
0x10: {  	[smem:$0x3FB1] =	sst s8  }
0x11: {  	[smem:$0x3FB2] =	sst s9;
	s0 =	simm.s32 @!p0 $0x0  }
0x12: {  	s1 =	sld [smem:$0x3F98];
	s0 =	simm.s32 @p0 $0x1  }
0x13: {  	[smem:$0x3FB3] =	sst s0;
	s0 =	simm.s32 @!p1 $0x0  }
0x14: {  	s2 =	sld [smem:$0x3F97];
	s0 =	simm.s32 @p1 $0x1  }
0x15: {  	[smem:$0x3FB4] =	sst s0;
	s0 =	simm.s32 @!p2 $0x0  }
0x16: {  	s3 =	sld [smem:$0x3FDB];
	s0 =	simm.s32 @p2 $0x1  }
0x17: {  	s4 =	simm.s32 $0x1BF5;
	[smem:$0x3FB6] =	sst s0  }
0x18: {  	s0 =	sld [smem:$0x3F99];
	_ =	swait.ge [sflag:s4], $0x0  }
0x19: {  	s7 =	sld [smem:$0x3F9A]  }
0x1a: {  	s8 =	sadd.s32 $0xFFFFE003, lr  }
0x1b: {  	s9 =	sadd.s32 $0xFFFFFEF7, lr;
	s5 =	simm.s32 $0xFFFFFFFF;
	p2 =	slt.u32 s8, $0xFFFFF086  }
0x1c: {  	p1 =	slt.u32 s9, $0xF7A;
	s5 =	simm.s32 @!p2 $0x0  }
0x1d: {  	s5 =	simm.s32 @p1 $0x1;
	p0 =	seq.s32 s7, s2  }
0x1e: {  	s7 =	smul.u32 @!p0 $0xF7A, s2;
	p2 =	seq.s32 @!p0 s5, $0x0  }
0x1f: {  	s9 =	smul.u32 $0xF7A, s1;
	s8 =	simm.s32 @!p0 $0x1BF5;
	p2 =	por !p2, p0  }
0x20: {  	[sflag:s8] =	ssyncset.s32 @!p0 $0xFFFFF086;
	s6 =	sadd.s32 @!p0 s3, s7;
	s7 =	simm.s32 @!p0 $0x108  }
0x21: {  	s3 =	sadd.s32 s3, s9;
	s6 =	sadd.s32 @!p0 $0x88, s6;
	s7 =	simm.s32 @p2 $0x1082  }
0x22: {  	[simem:s7], [sflag:s8] =	dma.local @!p0 [hbm:s6], $0xF7A  }
0x23: {  	s9 =	sor.u32 $0xD0000000, s2;
	s6 =	simm.s32 $0x108;
	_ =	swait.ge @!p0 [sflag:s8], $0x0  }
0x24: {  	s3 =	sadd.s32 $0x88, s3;
	s6 =	simm.s32 @!p1 $0x1082;
	[sflag:s4] =	ssyncset.s32 $0xFFFFF086  }
0x25: {  	[simem:s6], [sflag:s4] =	dma.local [hbm:s3], $0xF7A  }
0x26: {  	[smem:$0x3F9A] =	sst s1;
	(tag) =	ssettag s2;
	_ =	strace s9  }
0x27: {  	s1 =	sld [smem:$0x3FAA]  }
0x28: {  	s2 =	sld [smem:$0x3FAB]  }
0x29: {  	s4 =	sld [smem:$0x3FAD]  }
0x2a: {  	p0 =	seq.s32 s5, $0x0;
	s5 =	sld [smem:$0x3FAE]  }
0x2b: {  	s6 =	sld [smem:$0x3FAF]  }
0x2c: {  	s7 =	sld [smem:$0x3FB0]  }
0x2d: {  	s3 =	simm.s32 $0x108;
	s8 =	sld [smem:$0x3FB1]  }
0x2e: {  	s3 =	simm.s32 @!p0 $0x1082;
	s9 =	sld [smem:$0x3FB2]  }
0x2f: {  	lr =	sadd.s32 s0, s3;
	s0 =	sld [smem:$0x3FA9]  }
0x30: {  	s3 =	sld [smem:$0x3FAC]  }
0x31: {  	[smem:$0x3FB5] =	sst s10  }
0x32: {  	s10 =	sld [smem:$0x3FB3];
	_ =	sdelay $0x3  }
0x33: {  	p0 =	seq.s32 s10, $0x1;
	s10 =	sld [smem:$0x3FB5];
	_ =	sdelay $0x3  }
0x34: {  	[smem:$0x3FB5] =	sst s10  }
0x35: {  	s10 =	sld [smem:$0x3FB4];
	_ =	sdelay $0x3  }
0x36: {  	p1 =	seq.s32 s10, $0x1;
	s10 =	sld [smem:$0x3FB5];
	_ =	sdelay $0x3  }
0x37: {  	[smem:$0x3FB5] =	sst s10  }
0x38: {  	s10 =	sld [smem:$0x3FB6]  }
0x39: {  	_ = 	snop;
	(pc) =	sbr.ind lr, $3  }
0x3a: {  	_ = 	snop  }
0x3b: {  	_ = 	snop  }
0x3c: {  	p2 =	seq.s32 s10, $0x1;
	s10 =	sld [smem:$0x3FB5]  }
0x3d: {  	_ =	shalt  }
0x3e: {  	_ =	shalt  }
0x3f: {  	_ =	shalt  }
0x40: {  	_ =	shalt  }
0x41: {  	_ =	shalt  }
0x42: {  	_ =	shalt  }
0x43: {  	_ =	shalt  }
0x44: {  	_ =	shalt  }
0x45: {  	_ =	shalt  }
0x46: {  	_ =	shalt  }
0x47: {  	_ =	shalt  }
0x48: {  	_ =	shalt  }
0x49: {  	_ =	shalt  }
0x4a: {  	_ =	shalt  }
0x4b: {  	_ =	shalt  }
0x4c: {  	_ =	shalt  }
0x4d: {  	_ =	shalt  }
0x4e: {  	_ =	shalt  }
0x4f: {  	_ =	shalt  }
0x50: {  	_ =	shalt  }
0x51: {  	_ =	shalt  }
0x52: {  	_ =	shalt  }
0x53: {  	_ =	shalt  }
0x54: {  	_ =	shalt  }
0x55: {  	_ =	shalt  }
0x56: {  	_ =	shalt  }
0x57: {  	_ =	shalt  }
0x58: {  	_ =	shalt  }
0x59: {  	_ =	shalt  }
0x5a: {  	_ =	shalt  }
0x5b: {  	_ =	shalt  }
0x5c: {  	_ =	shalt  }
0x5d: {  	_ =	shalt  }
0x5e: {  	_ =	shalt  }
0x5f: {  	_ =	shalt  }
0x60: {  	_ =	shalt  }
0x61: {  	_ =	shalt  }
0x62: {  	_ =	shalt  }
0x63: {  	_ =	shalt  }
0x64: {  	_ =	shalt  }
0x65: {  	_ =	shalt  }
0x66: {  	_ =	shalt  }
0x67: {  	_ =	shalt  }
0x68: {  	_ =	shalt  }
0x69: {  	_ =	shalt  }
0x6a: {  	_ =	shalt  }
0x6b: {  	_ =	shalt  }
0x6c: {  	_ =	shalt  }
0x6d: {  	_ =	shalt  }
0x6e: {  	_ =	shalt  }
0x6f: {  	_ =	shalt  }
0x70: {  	_ =	shalt  }
0x71: {  	_ =	shalt  }
0x72: {  	_ =	shalt  }
0x73: {  	_ =	shalt  }
0x74: {  	_ =	shalt  }
0x75: {  	_ =	shalt  }
0x76: {  	_ =	shalt  }
0x77: {  	_ =	shalt  }
0x78: {  	_ =	shalt  }
0x79: {  	_ =	shalt  }
0x7a: {  	_ =	shalt  }
0x7b: {  	_ =	shalt  }
0x7c: {  	_ =	shalt  }
0x7d: {  	_ =	shalt  }
0x7e: {  	_ =	shalt  }
0x7f: {  	_ =	shalt  }
0x80: {  	_ =	shalt  }
0x81: {  	_ =	shalt  }
0x82: {  	_ =	shalt  }
0x83: {  	_ =	shalt  }
0x84: {  	_ =	shalt  }
0x85: {  	_ =	shalt  }
0x86: {  	_ =	shalt  }
0x87: {  	_ =	shalt  }
.Lfunc_end0:
.L_simem_size_0:
called_computation.2_lowered:
.L_overlay_start_0:
0x88: {  	s2 =	sld [smem:$0x3FD9]  }
0x89: {  	s3 =	sld [smem:$0x3FFE];
	_ =	sdelay $0x1  }
0x8a: {  	s1 =	srdreg.scid  }
0x8b: {  	s0 =	sand.u32 $0x1, s1  }
0x8c: {  	s17 =	sshll.u32 s0, $0xA;
	s2 =	sadd.s32 s3, s2  }
0x8d: {  	s2 =	sadd.s32 s2, s17  }
0x8e: {  	[smem:$0x3FC1] =	sst s2  }
0x8f: {  	_ = 	snop  }
0x90: {  	s18 =	sld [smem:$0x3FC8];
	(tm) =	ssettm $0x1  }
0x91: {  	s19 =	sld [smem:$0x3FFB];
	_ =	sdelay $0x3  }
0x92: {  	_ =	strace s19  }
0x93: {  	s2 =	sld [smem:$0x3FFC];
	_ =	sdelay $0x3  }
0x94: {  	_ =	strace s2  }
0x95: {  	s2 =	sld [smem:$0x3FFD];
	_ =	sdelay $0x3  }
0x96: {  	_ =	strace s2  }
0x97: {  	_ =	strace $0x8FFFFFFF  }
0x98: {  	s20 =	sld [smem:$0x3FDB];
	_ =	sdelay $0x1  }
0x99: {  	s4 =	simm.s32 $_scs_section_size  }
0x9a: {  	s5 =	simm.s32 $_size__tile_overlayer_lowered;
	s6 =	simm.s32 $_tile_overlayer_lowered  }
0x9b: {  	s7 =	simm.s32 $0x1BFF;
	s21 =	sshll.u32 s6, $0x1;
	s4 =	sadd.s32 s4, s20  }
0x9c: {  	s22 =	simm.s32 $0x0;
	s5 =	sshll.u32 s5, $0x1;
	s6 =	sadd.s32 s21, s4  }
0x9d: {  	[timem:s22], [sflag:s7] =	dma.local [hbm:s6], s5  }
0x9e: {  	_ =	swait.ge [sflag:s7], s5  }
0x9f: {  	s5 =	ssub.s32 $0x0, s5;
	[sflag:s7] =	ssyncset.done $0x0  }
0xa0: {  	[sflag:s7] =	ssyncadd.s32 s5;
	_ =	sdelay $0x1  }
0xa1: {  	s23 =	simm.s32 $0x1B8B  }
0xa2: {  	_ =	swait.ge [sflag:s23], $0x1  }
0xa3: {  	[sflag:s23] =	ssyncset.done $0x0  }
0xa4: {  	[sflag:s23] =	ssyncadd.s32 $0xFFFFFFFF  }
0xa5: {  	s5 =	sld [smem:$0x0]  }
0xa6: {  	s6 =	sand.u32 $0xFFFFFFFE, s1  }
0xa7: {  	p0 =	sne.s32 s1, s6  }
0xa8: {  	s6 =	sshll.u32 @p0 s6, $0xE  }
0xa9: {  	s6 =	sadd.s32 @p0 $0x11B8D, s6;
	s7 =	sshll.u32 @p0 s5, $0x11  }
0xaa: {  	s6 =	sor.u32 @p0 s7, s6  }
0xab: {  	[sflag:s6] =	ssyncadd.remote.s32 @p0 $0x1;
	_ =	sdelay $0x1  }
0xac: {  	s6 =	simm.s32 @p0 $0x1B8D  }
0xad: {  	_ =	swait.eq @p0 [sflag:s6], $0x1  }
0xae: {  	[sflag:s6] =	ssyncadd.s32 @p0 $0xFFFFFFFF  }
0xaf: {  	s7 =	sshll.u32 @!p0 s1, $0xE  }
0xb0: {  	s7 =	sor.u32 @!p0 $0x4000, s7;
	s6 =	simm.s32 @!p0 $0x1B8D  }
0xb1: {  	s5 =	sshll.u32 @!p0 s5, $0x11;
	s7 =	sadd.s32 @!p0 $0x11B8D, s7;
	_ =	swait.eq @!p0 [sflag:s6], $0x1  }
0xb2: {  	s5 =	sor.u32 @!p0 s5, s7;
	[sflag:s6] =	ssyncadd.s32 @!p0 $0xFFFFFFFF  }
0xb3: {  	s25 =	simm.s32 $0x1B8E;
	s24 =	sld [smem:$0x3FFE];
	[sflag:s5] =	ssyncadd.remote.s32 @!p0 $0x1  }
0xb4: {  	s26 =	simm.s32 $execute0_lowered;
	[smem:$0x3FD2] =	sst s25  }
0xb5: {  	s6 =	sshll.u32 s26, $0x1;
	_ =	strace $0x8000004C;
	[dreg:$0x1] =	wrdreg $0xFFFFFFFF  }
0xb6: {  	s28 =	simm.s32 $_size_execute0_lowered;
	s4 =	sadd.s32 s4, s6;
	[dreg:$0x0] =	wrdreg $0x0  }
0xb7: {  	s6 =	sshll.u32 s28, $0x1;
	[dreg:$0x2] =	wrdreg s4  }
0xb8: {  	[dreg:$0x3] =	wrdreg s6  }
0xb9: {  	[dreg:$0x4] =	wrdreg $0xC0  }
0xba: {  	_ =	task [dreg:s22], $0x5FFFF  }
0xbb: {  	[dreg:$0x1] =	wrdreg $0xFFFFFFFF  }
0xbc: {  	[dreg:$0x0] =	wrdreg $0x60  }
0xbd: {  	[dreg:$0x2] =	wrdreg s18  }
0xbe: {  	[dreg:$0x3] =	wrdreg s24  }
0xbf: {  	[dreg:$0x4] =	wrdreg $0xB  }
0xc0: {  	_ =	task.clear_ibuf [dreg:s22], $0x5FFFF;
	_ =	strace $0x9000004C  }
0xc1: {  	s29 =	simm.s32 $0xB;
	_ =	strace $0x8000004E  }
0xc2: {  	_ =	swait.ge [sflag:s29], $0x1  }
0xc3: {  	[sflag:s29] =	ssyncadd.s32 $0xFFFFFFFF  }
0xc4: {  	_ =	strace $0x9000004E  }
0xc5: {  	_ =	sfence  }
0xc6: {  	s30 =	sld [smem:$0x0];
	_ =	sdelay $0x2  }
0xc7: {  	s31 =	sshll.u32 s1, $0xD;
	s1 =	sshrl.u32 s1, $0x2  }
0xc8: {  	s4 =	sand.u32 $0x4000, s31;
	s1 =	sadd.s32 s1, s30  }
0xc9: {  	s0 =	sor.u32 s4, s0;
	s1 =	sshll.u32 s1, $0x11  }
0xca: {  	s0 =	sor.u32 s1, s0  }
0xcb: {  	s0 =	sadd.s32 $0x8F2B, s0  }
0xcc: {  	[sflag:s0] =	ssyncadd.remote.s32 $0x1  }
0xcd: {  	_ =	sfence.sel $0xFFFF  }
0xce: {  	[dreg:$0x0] =	wrdreg $0xFFFFFFFF;
	(pc) =	sbr.abs _section_cstart, $3  }
0xcf: {  	[dreg:$0x1] =	wrdreg $0xFFFFFFFF  }
0xd0: {  	_ =	task.clear_ibuf [dreg:s22], $0x2FFFF;
	_ =	strace $0x9FFFFFFF  }
0xd1: {  	(tm) =	ssettm $0x7FFFFFFF  }
tec
execute0_lowered:
.L_overlay_start_1:
0x0: {  	(tag) =	ssettag $0x1  }
0x1: {  	s2 =	rddreg [dreg:$0x0]  }
0x2: {  	s0 =	srdreg.scid;
	s7 =	rddreg [dreg:$0x1]  }
0x3: {  	s1 =	stileid.u32;
	s5 =	simm.s32 $0x2;
	s9 =	simm.s32 $0x3  }
0x4: {  	s3 =	sshll.u32 s0, $0x4;
	s0 =	rddreg [dreg:$0x2];
	_ =	strace $0x8000004D  }
.Ltmp0:
0x5: {  	s4 =	sand.u32 $0x10, s3;
	s3 =	simm.s32 $0x1;
	(pc) =	sbr.rel .LBB2_1-.Ltmp0, $4  }
0x6: {  	s12 =	simm.s32 $0x0;
	s4 =	sor.u32 s1, s4;
	[sflag:s3] =	ssyncpa.u1 $0x0  }
0x7: {  	s10 =	simm.s32 $0x0;
	s4 =	smul.u32 $0x60, s4;
	[sflag:s5] =	ssyncpa.u1 $0x0  }
0x8: {  	s6 =	sadd.s32 $0xE00, s7;
	s7 =	sadd.s32 $0x15C00, s7;
	[sflag:s9] =	ssyncpa.u1 $0x0  }
0x9: {  	vm0 =	vmmov $0xff;
	vm1 =	vcmask $0x3F20;
	s9 =	simm.s32 $0x60;
	s8 =	sadd.s32 $0x60, s4;
	s11 =	smov.u32 s4  }
.LBB2_10:
0xa: {  	s12 =	sshrl.u32 s11, $0x3  }
0xb: {  	s13 =	sand.u32 $0x7, s11;
	s12 =	sadd.s32 s6, s12  }
0xc: {  	[tilespmem:s9], [sflag:$0x2] =	stream.linear.gather [hbm4b:s12+s13], $0x60, $0x38;
	[tilespmem:$0x60C0] =	vst v63  }
.LBB2_8:
0xd: {  	s12 =	sadd.s32 $0x60, s11  }
0xe: {  	s13 =	smov.u32 s4;
	p0 =	slt.s32 s12, s8  }
0xf: {  	s13 =	smov.u32 @p0 s12  }
0x10: {  	s10 =	sadd.s32 $0x1, s10;
	s12 =	smov.u32 s11;
	s11 =	smov.u32 s13  }
.LBB2_1:
0x11: {  	p0 =	seq.s32 s10, $0x0  }
.Ltmp1:
0x12: {  	_ = 	snop;
	(pc) =	sbr.rel @p0 .LBB2_10-.Ltmp1, $1  }
0x13: {  	_ =	sdelay $0x3  }
0x14: {  	p0 =	seq.s32 s10, $0x1  }
.Ltmp2:
0x15: {  	_ = 	snop;
	(pc) =	sbr.rel @!p0 .LBB2_9-.Ltmp2, $1  }
0x16: {  	_ =	sdelay $0x3  }
0x17: {  	_ =	swait.ge [sflag:s5], $0x60  }
0x18: {  	[sflag:s5] =	ssyncset.done $0x0  }
0x19: {  	s13 =	simm.s32 $0x0;
	[sflag:s5] =	ssyncadd.s32 $0xFFFFFFA0  }
0x1a: {  	v0 =	vld.msk [tilespmem:s13+$0x60 ss:$0x1], $0xffff;
	_ =	sdelay $0x4  }
0x1b: {  	vm2 =	vgt.s32 v0, $0x0  }
0x1c: {  	v0 =	vnsel vm2, $0x0, v0  }
0x1d: {  	v0 =	vmin.u32 v0, $0xBFFF  }
0x1e: {  	v0 =	vshll.u32 v0, $0x4;
	_ =	sdelay $0x3  }
0x1f: {  	s13 =	simm.s32 $0x30C0  }
0x20: {  	[tilespmem:s13], [sflag:$0x1] =	stream.indirect_vreg.gather [hbm:s2], $0x80, v0, vm0, $0x38;
	[tilespmem:$0x60C0] =	vst v63  }
0x21: {  	s14 =	simm.s32 $0x34C0;
	s31 =	simm.s32 $0x10  }
0x22: {  	[tilespmem:s14], [sflag:$0x1] =	stream.indirect_vreg.gather [hbm:s2], $0x80, v0, vm1, $0x38;
	[tilespmem:$0x60C0] =	vst v63  }
0x23: {  	s14 =	simm.s32 $0x80;
	v0 =	vld.msk [tilespmem:s31+$0x60 ss:$0x1], $0xffff  }
.LBB2_4:
0x24: {  	p0 =	sne.s32 s14, $0x140;
	_ =	sdelay $0x4  }
0x25: {  	vm2 =	vgt.s32 v0, $0x0  }
0x26: {  	v0 =	vnsel vm2, $0x0, v0  }
0x27: {  	v0 =	vmin.u32 v0, $0xBFFF  }
0x28: {  	v0 =	vshll.u32 v0, $0x4;
	_ =	sdelay $0x3  }
.Ltmp3:
0x29: {  	s13 =	sadd.s32 $0x800, s13;
	(pc) =	sbr.rel @p0 .LBB2_4-.Ltmp3, $4  }
0x2a: {  	[tilespmem:s13], [sflag:$0x1] =	stream.indirect_vreg.gather [hbm:s2], $0x80, v0, vm0, $0x38;
	[tilespmem:$0x60C0] =	vst v63  }
0x2b: {  	s15 =	sshra.s32 s14, $0x2;
	s16 =	sadd.s32 $0x400, s13  }
0x2c: {  	[tilespmem:s16], [sflag:$0x1] =	stream.indirect_vreg.gather [hbm:s2], $0x80, v0, vm1, $0x38;
	[tilespmem:$0x60C0] =	vst v63  }
0x2d: {  	s14 =	sadd.s32 $0x40, s14;
	v0 =	vld.msk [tilespmem:s15+$0x60 ss:$0x1], $0xffff  }
0x2e: {  	_ =	sdelay $0x3  }
0x2f: {  	vm2 =	vgt.s32 v0, $0x0  }
0x30: {  	v0 =	vnsel vm2, $0x0, v0  }
0x31: {  	v0 =	vmin.u32 v0, $0xBFFF  }
0x32: {  	v0 =	vshll.u32 v0, $0x4;
	_ =	sdelay $0x3  }
0x33: {  	s13 =	sadd.s32 $0x800, s13  }
0x34: {  	[tilespmem:s13], [sflag:$0x1] =	stream.indirect_vreg.gather [hbm:s2], $0x80, v0, vm0, $0x38;
	[tilespmem:$0x60C0] =	vst v63  }
0x35: {  	s13 =	sadd.s32 $0x400, s13  }
0x36: {  	[tilespmem:s13], [sflag:$0x1] =	stream.indirect_vreg.gather [hbm:s2], $0x80, v0, vm1, $0x38;
	[tilespmem:$0x60C0] =	vst v63  }
0x37: {  	s12 =	sshll.u32 s12, $0x4;
	s14 =	simm.s32 $0x80;
	_ =	swait.ge [sflag:s3], $0x3000  }
0x38: {  	s15 =	simm.s32 $0x34C0;
	s12 =	sadd.s32 s12, s7;
	[sflag:s3] =	ssyncset.done $0x0  }
0x39: {  	s16 =	sadd.s32 $0x0, s12;
	s13 =	simm.s32 $0x30C0;
	[sflag:s3] =	ssyncadd.s32 $0xFFFFD000  }
.LBB2_6:
0x3a: {  	[hbm:s16] =	stream.linear.scatter [tilespmem:s13], [sflag:$0x3], $0x400, $0x38;
	[tilespmem:$0x60C0] =	vst v63  }
0x3b: {  	s16 =	smov.u32 s14;
	s13 =	smov.u32 s15;
	p0 =	seq.s32 s14, $0x580  }
.Ltmp4:
0x3c: {  	s14 =	sadd.s32 $0x80, s14;
	(pc) =	sbr.rel @!p0 .LBB2_6-.Ltmp4, $2  }
0x3d: {  	_ =	sdelay $0x2  }
0x3e: {  	s15 =	sadd.s32 $0x400, s15;
	s16 =	sadd.s32 s16, s12  }
.Ltmp5:
0x3f: {  	(pc) =	sbr.rel .LBB2_8-.Ltmp5, $2  }
0x40: {  	_ =	sdelay $0x2  }
0x41: {  	[hbm:s16] =	stream.linear.scatter [tilespmem:s13], [sflag:$0x3], $0x400, $0x38;
	[tilespmem:$0x60C0] =	vst v63  }
.LBB2_9:
0x42: {  	s2 =	simm.s32 $0x3  }
0x43: {  	_ =	swait.ge [sflag:s2], $0x3000  }
0x44: {  	[sflag:s2] =	ssyncset.done $0x0  }
0x45: {  	[sflag:s2] =	ssyncadd.s32 $0xFFFFD000  }
0x46: {  	_ =	sfence.sel $0x180000  }
0x47: {  	s3 =	simm.s32 $0x2;
	[bflag:$0x0] =	sbarrier.arrive $0xFFFF  }
0x48: {  	[sflag:s3] =	ssyncpa.u1 $0x1  }
0x49: {  	s31 =	simm.s32 $0x1;
	[sflag:s2] =	ssyncpa.u1 $0x1  }
0x4a: {  	[sflag:s31] =	ssyncpa.u1 $0x1  }
0x4b: {  	p0 =	sne.s32 s1, $0x0;
	_ =	strace $0x9000004D  }
0x4c: {  	s0 =	sadd.s32 @!p0 $0x100000, s0;
	[bflag:$0x2] =	sbarrier.arrive $0xFFFF  }
0x4d: {  	[sflag:s0] =	ssyncadd.tile.s32 @!p0 $0x1;
	_ =	shalt  }
.Lfunc_end2:
_tile_overlayer_lowered:
.L_overlay_start_2:
0x4e: {  	(tag) =	ssettag $0x2  }
0x4f: {  	s0 =	rddreg [dreg:$0x0];
	s2 =	stileid.u32  }
0x50: {  	s1 =	rddreg [dreg:$0x1];
	p0 =	sne.s32 s2, $0x0  }
0x51: {  	s3 =	rddreg [dreg:$0x2];
	[bflag:$0x3] =	sbarrier.arrive $0xFFFF;
	s2 =	simm.s32 @!p0 $0x1C01  }
0x52: {  	[timem:s3], [sflag:s2] =	dma.local @!p0 [hbm:s0], s1  }
0x53: {  	s0 =	simm.s32 @!p0 $0x1  }
0x54: {  	_ =	swait.ge @!p0 [sflag:s0], s1  }
0x55: {  	s1 =	ssub.s32 @!p0 $0x0, s1;
	[sflag:s0] =	ssyncset.done @!p0 $0x0  }
0x56: {  	[sflag:s0] =	ssyncadd.s32 @!p0 s1  }
0x57: {  	[bflag:$0x3] =	sbarrier.arrive $0xFFFF  }
0x58: {  	_ =	shalt  }

// kernel: gather_offload_async_start.3
scs
__scs_entry_jumppad:
0x0: {  	(pc) =	sbr.rel $0x88, $3  }
0x1: {  	(tag) =	ssettag $0x0;
	lr =	simm.s32 $0x1  }
0x2: {  	[smem:$0x3F9A] =	sst lr;
	_ =	strace $0xD0000000  }
0x3: {  	_ = 	snop  }
0x4: {  	_ = 	snop  }
0x5: {  	_ = 	snop  }
0x6: {  	_ = 	snop  }
0x7: {  	_ = 	snop  }
__scs_overlays_trampoline_lowered:
0x8: {  	[smem:$0x3FA9] =	sst s0  }
0x9: {  	[smem:$0x3FAA] =	sst s1  }
0xa: {  	[smem:$0x3FAB] =	sst s2  }
0xb: {  	[smem:$0x3FAC] =	sst s3  }
0xc: {  	[smem:$0x3FAD] =	sst s4  }
0xd: {  	[smem:$0x3FAE] =	sst s5  }
0xe: {  	[smem:$0x3FAF] =	sst s6  }
0xf: {  	[smem:$0x3FB0] =	sst s7  }
0x10: {  	[smem:$0x3FB1] =	sst s8  }
0x11: {  	[smem:$0x3FB2] =	sst s9;
	s0 =	simm.s32 @!p0 $0x0  }
0x12: {  	s1 =	sld [smem:$0x3F98];
	s0 =	simm.s32 @p0 $0x1  }
0x13: {  	[smem:$0x3FB3] =	sst s0;
	s0 =	simm.s32 @!p1 $0x0  }
0x14: {  	s2 =	sld [smem:$0x3F97];
	s0 =	simm.s32 @p1 $0x1  }
0x15: {  	[smem:$0x3FB4] =	sst s0;
	s0 =	simm.s32 @!p2 $0x0  }
0x16: {  	s3 =	sld [smem:$0x3FDB];
	s0 =	simm.s32 @p2 $0x1  }
0x17: {  	s4 =	simm.s32 $0x1BF5;
	[smem:$0x3FB6] =	sst s0  }
0x18: {  	s0 =	sld [smem:$0x3F99];
	_ =	swait.ge [sflag:s4], $0x0  }
0x19: {  	s7 =	sld [smem:$0x3F9A]  }
0x1a: {  	s8 =	sadd.s32 $0xFFFFE003, lr  }
0x1b: {  	s9 =	sadd.s32 $0xFFFFFEF7, lr;
	s5 =	simm.s32 $0xFFFFFFFF;
	p2 =	slt.u32 s8, $0xFFFFF086  }
0x1c: {  	p1 =	slt.u32 s9, $0xF7A;
	s5 =	simm.s32 @!p2 $0x0  }
0x1d: {  	s5 =	simm.s32 @p1 $0x1;
	p0 =	seq.s32 s7, s2  }
0x1e: {  	s7 =	smul.u32 @!p0 $0xF7A, s2;
	p2 =	seq.s32 @!p0 s5, $0x0  }
0x1f: {  	s9 =	smul.u32 $0xF7A, s1;
	s8 =	simm.s32 @!p0 $0x1BF5;
	p2 =	por !p2, p0  }
0x20: {  	[sflag:s8] =	ssyncset.s32 @!p0 $0xFFFFF086;
	s6 =	sadd.s32 @!p0 s3, s7;
	s7 =	simm.s32 @!p0 $0x108  }
0x21: {  	s3 =	sadd.s32 s3, s9;
	s6 =	sadd.s32 @!p0 $0x88, s6;
	s7 =	simm.s32 @p2 $0x1082  }
0x22: {  	[simem:s7], [sflag:s8] =	dma.local @!p0 [hbm:s6], $0xF7A  }
0x23: {  	s9 =	sor.u32 $0xD0000000, s2;
	s6 =	simm.s32 $0x108;
	_ =	swait.ge @!p0 [sflag:s8], $0x0  }
0x24: {  	s3 =	sadd.s32 $0x88, s3;
	s6 =	simm.s32 @!p1 $0x1082;
	[sflag:s4] =	ssyncset.s32 $0xFFFFF086  }
0x25: {  	[simem:s6], [sflag:s4] =	dma.local [hbm:s3], $0xF7A  }
0x26: {  	[smem:$0x3F9A] =	sst s1;
	(tag) =	ssettag s2;
	_ =	strace s9  }
0x27: {  	s1 =	sld [smem:$0x3FAA]  }
0x28: {  	s2 =	sld [smem:$0x3FAB]  }
0x29: {  	s4 =	sld [smem:$0x3FAD]  }
0x2a: {  	p0 =	seq.s32 s5, $0x0;
	s5 =	sld [smem:$0x3FAE]  }
0x2b: {  	s6 =	sld [smem:$0x3FAF]  }
0x2c: {  	s7 =	sld [smem:$0x3FB0]  }
0x2d: {  	s3 =	simm.s32 $0x108;
	s8 =	sld [smem:$0x3FB1]  }
0x2e: {  	s3 =	simm.s32 @!p0 $0x1082;
	s9 =	sld [smem:$0x3FB2]  }
0x2f: {  	lr =	sadd.s32 s0, s3;
	s0 =	sld [smem:$0x3FA9]  }
0x30: {  	s3 =	sld [smem:$0x3FAC]  }
0x31: {  	[smem:$0x3FB5] =	sst s10  }
0x32: {  	s10 =	sld [smem:$0x3FB3];
	_ =	sdelay $0x3  }
0x33: {  	p0 =	seq.s32 s10, $0x1;
	s10 =	sld [smem:$0x3FB5];
	_ =	sdelay $0x3  }
0x34: {  	[smem:$0x3FB5] =	sst s10  }
0x35: {  	s10 =	sld [smem:$0x3FB4];
	_ =	sdelay $0x3  }
0x36: {  	p1 =	seq.s32 s10, $0x1;
	s10 =	sld [smem:$0x3FB5];
	_ =	sdelay $0x3  }
0x37: {  	[smem:$0x3FB5] =	sst s10  }
0x38: {  	s10 =	sld [smem:$0x3FB6]  }
0x39: {  	_ = 	snop;
	(pc) =	sbr.ind lr, $3  }
0x3a: {  	_ = 	snop  }
0x3b: {  	_ = 	snop  }
0x3c: {  	p2 =	seq.s32 s10, $0x1;
	s10 =	sld [smem:$0x3FB5]  }
0x3d: {  	_ =	shalt  }
0x3e: {  	_ =	shalt  }
0x3f: {  	_ =	shalt  }
0x40: {  	_ =	shalt  }
0x41: {  	_ =	shalt  }
0x42: {  	_ =	shalt  }
0x43: {  	_ =	shalt  }
0x44: {  	_ =	shalt  }
0x45: {  	_ =	shalt  }
0x46: {  	_ =	shalt  }
0x47: {  	_ =	shalt  }
0x48: {  	_ =	shalt  }
0x49: {  	_ =	shalt  }
0x4a: {  	_ =	shalt  }
0x4b: {  	_ =	shalt  }
0x4c: {  	_ =	shalt  }
0x4d: {  	_ =	shalt  }
0x4e: {  	_ =	shalt  }
0x4f: {  	_ =	shalt  }
0x50: {  	_ =	shalt  }
0x51: {  	_ =	shalt  }
0x52: {  	_ =	shalt  }
0x53: {  	_ =	shalt  }
0x54: {  	_ =	shalt  }
0x55: {  	_ =	shalt  }
0x56: {  	_ =	shalt  }
0x57: {  	_ =	shalt  }
0x58: {  	_ =	shalt  }
0x59: {  	_ =	shalt  }
0x5a: {  	_ =	shalt  }
0x5b: {  	_ =	shalt  }
0x5c: {  	_ =	shalt  }
0x5d: {  	_ =	shalt  }
0x5e: {  	_ =	shalt  }
0x5f: {  	_ =	shalt  }
0x60: {  	_ =	shalt  }
0x61: {  	_ =	shalt  }
0x62: {  	_ =	shalt  }
0x63: {  	_ =	shalt  }
0x64: {  	_ =	shalt  }
0x65: {  	_ =	shalt  }
0x66: {  	_ =	shalt  }
0x67: {  	_ =	shalt  }
0x68: {  	_ =	shalt  }
0x69: {  	_ =	shalt  }
0x6a: {  	_ =	shalt  }
0x6b: {  	_ =	shalt  }
0x6c: {  	_ =	shalt  }
0x6d: {  	_ =	shalt  }
0x6e: {  	_ =	shalt  }
0x6f: {  	_ =	shalt  }
0x70: {  	_ =	shalt  }
0x71: {  	_ =	shalt  }
0x72: {  	_ =	shalt  }
0x73: {  	_ =	shalt  }
0x74: {  	_ =	shalt  }
0x75: {  	_ =	shalt  }
0x76: {  	_ =	shalt  }
0x77: {  	_ =	shalt  }
0x78: {  	_ =	shalt  }
0x79: {  	_ =	shalt  }
0x7a: {  	_ =	shalt  }
0x7b: {  	_ =	shalt  }
0x7c: {  	_ =	shalt  }
0x7d: {  	_ =	shalt  }
0x7e: {  	_ =	shalt  }
0x7f: {  	_ =	shalt  }
0x80: {  	_ =	shalt  }
0x81: {  	_ =	shalt  }
0x82: {  	_ =	shalt  }
0x83: {  	_ =	shalt  }
0x84: {  	_ =	shalt  }
0x85: {  	_ =	shalt  }
0x86: {  	_ =	shalt  }
0x87: {  	_ =	shalt  }
.Lfunc_end0:
.L_simem_size_0:
called_computation.3_lowered:
.L_overlay_start_0:
0x88: {  	s2 =	sld [smem:$0x3FD9]  }
0x89: {  	s3 =	sld [smem:$0x3FFE];
	_ =	sdelay $0x1  }
0x8a: {  	s1 =	srdreg.scid  }
0x8b: {  	s0 =	sand.u32 $0x1, s1  }
0x8c: {  	s17 =	sshll.u32 s0, $0xA;
	s2 =	sadd.s32 s3, s2  }
0x8d: {  	s2 =	sadd.s32 s2, s17  }
0x8e: {  	[smem:$0x3FC1] =	sst s2  }
0x8f: {  	_ = 	snop  }
0x90: {  	s18 =	sld [smem:$0x3FC7];
	(tm) =	ssettm $0x1  }
0x91: {  	s19 =	sld [smem:$0x3FFB];
	_ =	sdelay $0x3  }
0x92: {  	_ =	strace s19  }
0x93: {  	s2 =	sld [smem:$0x3FFC];
	_ =	sdelay $0x3  }
0x94: {  	_ =	strace s2  }
0x95: {  	s2 =	sld [smem:$0x3FFD];
	_ =	sdelay $0x3  }
0x96: {  	_ =	strace s2  }
0x97: {  	_ =	strace $0x8FFFFFFF  }
0x98: {  	s20 =	sld [smem:$0x3FDB];
	_ =	sdelay $0x1  }
0x99: {  	s4 =	simm.s32 $_scs_section_size  }
0x9a: {  	s5 =	simm.s32 $_size__tile_overlayer_lowered;
	s6 =	simm.s32 $_tile_overlayer_lowered  }
0x9b: {  	s7 =	simm.s32 $0x1BFF;
	s21 =	sshll.u32 s6, $0x1;
	s4 =	sadd.s32 s4, s20  }
0x9c: {  	s22 =	simm.s32 $0x0;
	s5 =	sshll.u32 s5, $0x1;
	s6 =	sadd.s32 s21, s4  }
0x9d: {  	[timem:s22], [sflag:s7] =	dma.local [hbm:s6], s5  }
0x9e: {  	_ =	swait.ge [sflag:s7], s5  }
0x9f: {  	s5 =	ssub.s32 $0x0, s5;
	[sflag:s7] =	ssyncset.done $0x0  }
0xa0: {  	[sflag:s7] =	ssyncadd.s32 s5;
	_ =	sdelay $0x1  }
0xa1: {  	s23 =	simm.s32 $0x1B8B  }
0xa2: {  	_ =	swait.ge [sflag:s23], $0x1  }
0xa3: {  	[sflag:s23] =	ssyncset.done $0x0  }
0xa4: {  	[sflag:s23] =	ssyncadd.s32 $0xFFFFFFFF  }
0xa5: {  	s5 =	sld [smem:$0x0]  }
0xa6: {  	s6 =	sand.u32 $0xFFFFFFFE, s1  }
0xa7: {  	p0 =	sne.s32 s1, s6  }
0xa8: {  	s6 =	sshll.u32 @p0 s6, $0xE  }
0xa9: {  	s6 =	sadd.s32 @p0 $0x11B8D, s6;
	s7 =	sshll.u32 @p0 s5, $0x11  }
0xaa: {  	s6 =	sor.u32 @p0 s7, s6  }
0xab: {  	[sflag:s6] =	ssyncadd.remote.s32 @p0 $0x1;
	_ =	sdelay $0x1  }
0xac: {  	s6 =	simm.s32 @p0 $0x1B8D  }
0xad: {  	_ =	swait.eq @p0 [sflag:s6], $0x1  }
0xae: {  	[sflag:s6] =	ssyncadd.s32 @p0 $0xFFFFFFFF  }
0xaf: {  	s7 =	sshll.u32 @!p0 s1, $0xE  }
0xb0: {  	s7 =	sor.u32 @!p0 $0x4000, s7;
	s6 =	simm.s32 @!p0 $0x1B8D  }
0xb1: {  	s5 =	sshll.u32 @!p0 s5, $0x11;
	s7 =	sadd.s32 @!p0 $0x11B8D, s7;
	_ =	swait.eq @!p0 [sflag:s6], $0x1  }
0xb2: {  	s5 =	sor.u32 @!p0 s5, s7;
	[sflag:s6] =	ssyncadd.s32 @!p0 $0xFFFFFFFF  }
0xb3: {  	s25 =	simm.s32 $0x1B8E;
	s24 =	sld [smem:$0x3FFE];
	[sflag:s5] =	ssyncadd.remote.s32 @!p0 $0x1  }
0xb4: {  	s26 =	simm.s32 $execute0_lowered;
	[smem:$0x3FD2] =	sst s25  }
0xb5: {  	s6 =	sshll.u32 s26, $0x1;
	_ =	strace $0x80000049;
	[dreg:$0x1] =	wrdreg $0xFFFFFFFF  }
0xb6: {  	s28 =	simm.s32 $_size_execute0_lowered;
	s4 =	sadd.s32 s4, s6;
	[dreg:$0x0] =	wrdreg $0x0  }
0xb7: {  	s6 =	sshll.u32 s28, $0x1;
	[dreg:$0x2] =	wrdreg s4  }
0xb8: {  	[dreg:$0x3] =	wrdreg s6  }
0xb9: {  	[dreg:$0x4] =	wrdreg $0xC0  }
0xba: {  	_ =	task [dreg:s22], $0x5FFFF  }
0xbb: {  	[dreg:$0x1] =	wrdreg $0xFFFFFFFF  }
0xbc: {  	[dreg:$0x0] =	wrdreg $0x60  }
0xbd: {  	[dreg:$0x2] =	wrdreg s18  }
0xbe: {  	[dreg:$0x3] =	wrdreg s24  }
0xbf: {  	[dreg:$0x4] =	wrdreg $0xC  }
0xc0: {  	_ =	task.clear_ibuf [dreg:s22], $0x5FFFF;
	_ =	strace $0x90000049  }
0xc1: {  	s29 =	simm.s32 $0xC;
	_ =	strace $0x8000004B  }
0xc2: {  	_ =	swait.ge [sflag:s29], $0x1  }
0xc3: {  	[sflag:s29] =	ssyncadd.s32 $0xFFFFFFFF  }
0xc4: {  	_ =	strace $0x9000004B  }
0xc5: {  	_ =	sfence  }
0xc6: {  	s30 =	sld [smem:$0x0];
	_ =	sdelay $0x2  }
0xc7: {  	s31 =	sshll.u32 s1, $0xD;
	s1 =	sshrl.u32 s1, $0x2  }
0xc8: {  	s4 =	sand.u32 $0x4000, s31;
	s1 =	sadd.s32 s1, s30  }
0xc9: {  	s0 =	sor.u32 s4, s0;
	s1 =	sshll.u32 s1, $0x11  }
0xca: {  	s0 =	sor.u32 s1, s0  }
0xcb: {  	s0 =	sadd.s32 $0x8F2B, s0  }
0xcc: {  	[sflag:s0] =	ssyncadd.remote.s32 $0x1  }
0xcd: {  	_ =	sfence.sel $0xFFFF  }
0xce: {  	[dreg:$0x0] =	wrdreg $0xFFFFFFFF;
	(pc) =	sbr.abs _section_cstart, $3  }
0xcf: {  	[dreg:$0x1] =	wrdreg $0xFFFFFFFF  }
0xd0: {  	_ =	task.clear_ibuf [dreg:s22], $0x2FFFF;
	_ =	strace $0x9FFFFFFF  }
0xd1: {  	(tm) =	ssettm $0x7FFFFFFF  }
tec
execute0_lowered:
.L_overlay_start_1:
0x0: {  	(tag) =	ssettag $0x1  }
0x1: {  	s2 =	rddreg [dreg:$0x0]  }
0x2: {  	s0 =	srdreg.scid;
	s7 =	rddreg [dreg:$0x1]  }
0x3: {  	s1 =	stileid.u32;
	s5 =	simm.s32 $0x2;
	s9 =	simm.s32 $0x3  }
0x4: {  	s3 =	sshll.u32 s0, $0x4;
	s0 =	rddreg [dreg:$0x2];
	_ =	strace $0x8000004A  }
.Ltmp0:
0x5: {  	s4 =	sand.u32 $0x10, s3;
	s3 =	simm.s32 $0x1;
	(pc) =	sbr.rel .LBB2_1-.Ltmp0, $4  }
0x6: {  	s12 =	simm.s32 $0x0;
	s4 =	sor.u32 s1, s4;
	[sflag:s3] =	ssyncpa.u1 $0x0  }
0x7: {  	s10 =	simm.s32 $0x0;
	s4 =	smul.u32 $0x60, s4;
	[sflag:s5] =	ssyncpa.u1 $0x0  }
0x8: {  	s6 =	sadd.s32 $0xC00, s7;
	s7 =	sadd.s32 $0x9600, s7;
	[sflag:s9] =	ssyncpa.u1 $0x0  }
0x9: {  	vm0 =	vmmov $0xff;
	vm1 =	vcmask $0x3F20;
	s9 =	simm.s32 $0x60;
	s8 =	sadd.s32 $0x60, s4;
	s11 =	smov.u32 s4  }
.LBB2_10:
0xa: {  	s12 =	sshrl.u32 s11, $0x3  }
0xb: {  	s13 =	sand.u32 $0x7, s11;
	s12 =	sadd.s32 s6, s12  }
0xc: {  	[tilespmem:s9], [sflag:$0x2] =	stream.linear.gather [hbm4b:s12+s13], $0x60, $0x38;
	[tilespmem:$0x60C0] =	vst v63  }
.LBB2_8:
0xd: {  	s12 =	sadd.s32 $0x60, s11  }
0xe: {  	s13 =	smov.u32 s4;
	p0 =	slt.s32 s12, s8  }
0xf: {  	s13 =	smov.u32 @p0 s12  }
0x10: {  	s10 =	sadd.s32 $0x1, s10;
	s12 =	smov.u32 s11;
	s11 =	smov.u32 s13  }
.LBB2_1:
0x11: {  	p0 =	seq.s32 s10, $0x0  }
.Ltmp1:
0x12: {  	_ = 	snop;
	(pc) =	sbr.rel @p0 .LBB2_10-.Ltmp1, $1  }
0x13: {  	_ =	sdelay $0x3  }
0x14: {  	p0 =	seq.s32 s10, $0x1  }
.Ltmp2:
0x15: {  	_ = 	snop;
	(pc) =	sbr.rel @!p0 .LBB2_9-.Ltmp2, $1  }
0x16: {  	_ =	sdelay $0x3  }
0x17: {  	_ =	swait.ge [sflag:s5], $0x60  }
0x18: {  	[sflag:s5] =	ssyncset.done $0x0  }
0x19: {  	s13 =	simm.s32 $0x0;
	[sflag:s5] =	ssyncadd.s32 $0xFFFFFFA0  }
0x1a: {  	v0 =	vld.msk [tilespmem:s13+$0x60 ss:$0x1], $0xffff;
	_ =	sdelay $0x4  }
0x1b: {  	vm2 =	vgt.s32 v0, $0x0  }
0x1c: {  	v0 =	vnsel vm2, $0x0, v0  }
0x1d: {  	v0 =	vmin.u32 v0, $0x2FFF  }
0x1e: {  	v0 =	vshll.u32 v0, $0x4;
	_ =	sdelay $0x3  }
0x1f: {  	s13 =	simm.s32 $0x30C0  }
0x20: {  	[tilespmem:s13], [sflag:$0x1] =	stream.indirect_vreg.gather [hbm:s2], $0x80, v0, vm0, $0x38;
	[tilespmem:$0x60C0] =	vst v63  }
0x21: {  	s14 =	simm.s32 $0x34C0;
	s31 =	simm.s32 $0x10  }
0x22: {  	[tilespmem:s14], [sflag:$0x1] =	stream.indirect_vreg.gather [hbm:s2], $0x80, v0, vm1, $0x38;
	[tilespmem:$0x60C0] =	vst v63  }
0x23: {  	s14 =	simm.s32 $0x80;
	v0 =	vld.msk [tilespmem:s31+$0x60 ss:$0x1], $0xffff  }
.LBB2_4:
0x24: {  	p0 =	sne.s32 s14, $0x140;
	_ =	sdelay $0x4  }
0x25: {  	vm2 =	vgt.s32 v0, $0x0  }
0x26: {  	v0 =	vnsel vm2, $0x0, v0  }
0x27: {  	v0 =	vmin.u32 v0, $0x2FFF  }
0x28: {  	v0 =	vshll.u32 v0, $0x4;
	_ =	sdelay $0x3  }
.Ltmp3:
0x29: {  	s13 =	sadd.s32 $0x800, s13;
	(pc) =	sbr.rel @p0 .LBB2_4-.Ltmp3, $4  }
0x2a: {  	[tilespmem:s13], [sflag:$0x1] =	stream.indirect_vreg.gather [hbm:s2], $0x80, v0, vm0, $0x38;
	[tilespmem:$0x60C0] =	vst v63  }
0x2b: {  	s15 =	sshra.s32 s14, $0x2;
	s16 =	sadd.s32 $0x400, s13  }
0x2c: {  	[tilespmem:s16], [sflag:$0x1] =	stream.indirect_vreg.gather [hbm:s2], $0x80, v0, vm1, $0x38;
	[tilespmem:$0x60C0] =	vst v63  }
0x2d: {  	s14 =	sadd.s32 $0x40, s14;
	v0 =	vld.msk [tilespmem:s15+$0x60 ss:$0x1], $0xffff  }
0x2e: {  	_ =	sdelay $0x3  }
0x2f: {  	vm2 =	vgt.s32 v0, $0x0  }
0x30: {  	v0 =	vnsel vm2, $0x0, v0  }
0x31: {  	v0 =	vmin.u32 v0, $0x2FFF  }
0x32: {  	v0 =	vshll.u32 v0, $0x4;
	_ =	sdelay $0x3  }
0x33: {  	s13 =	sadd.s32 $0x800, s13  }
0x34: {  	[tilespmem:s13], [sflag:$0x1] =	stream.indirect_vreg.gather [hbm:s2], $0x80, v0, vm0, $0x38;
	[tilespmem:$0x60C0] =	vst v63  }
0x35: {  	s13 =	sadd.s32 $0x400, s13  }
0x36: {  	[tilespmem:s13], [sflag:$0x1] =	stream.indirect_vreg.gather [hbm:s2], $0x80, v0, vm1, $0x38;
	[tilespmem:$0x60C0] =	vst v63  }
0x37: {  	s12 =	sshll.u32 s12, $0x4;
	s14 =	simm.s32 $0x80;
	_ =	swait.ge [sflag:s3], $0x3000  }
0x38: {  	s15 =	simm.s32 $0x34C0;
	s12 =	sadd.s32 s12, s7;
	[sflag:s3] =	ssyncset.done $0x0  }
0x39: {  	s16 =	sadd.s32 $0x0, s12;
	s13 =	simm.s32 $0x30C0;
	[sflag:s3] =	ssyncadd.s32 $0xFFFFD000  }
.LBB2_6:
0x3a: {  	[hbm:s16] =	stream.linear.scatter [tilespmem:s13], [sflag:$0x3], $0x400, $0x38;
	[tilespmem:$0x60C0] =	vst v63  }
0x3b: {  	s16 =	smov.u32 s14;
	s13 =	smov.u32 s15;
	p0 =	seq.s32 s14, $0x580  }
.Ltmp4:
0x3c: {  	s14 =	sadd.s32 $0x80, s14;
	(pc) =	sbr.rel @!p0 .LBB2_6-.Ltmp4, $2  }
0x3d: {  	_ =	sdelay $0x2  }
0x3e: {  	s15 =	sadd.s32 $0x400, s15;
	s16 =	sadd.s32 s16, s12  }
.Ltmp5:
0x3f: {  	(pc) =	sbr.rel .LBB2_8-.Ltmp5, $2  }
0x40: {  	_ =	sdelay $0x2  }
0x41: {  	[hbm:s16] =	stream.linear.scatter [tilespmem:s13], [sflag:$0x3], $0x400, $0x38;
	[tilespmem:$0x60C0] =	vst v63  }
.LBB2_9:
0x42: {  	s2 =	simm.s32 $0x3  }
0x43: {  	_ =	swait.ge [sflag:s2], $0x3000  }
0x44: {  	[sflag:s2] =	ssyncset.done $0x0  }
0x45: {  	[sflag:s2] =	ssyncadd.s32 $0xFFFFD000  }
0x46: {  	_ =	sfence.sel $0x180000  }
0x47: {  	s3 =	simm.s32 $0x2;
	[bflag:$0x0] =	sbarrier.arrive $0xFFFF  }
0x48: {  	[sflag:s3] =	ssyncpa.u1 $0x1  }
0x49: {  	s31 =	simm.s32 $0x1;
	[sflag:s2] =	ssyncpa.u1 $0x1  }
0x4a: {  	[sflag:s31] =	ssyncpa.u1 $0x1  }
0x4b: {  	p0 =	sne.s32 s1, $0x0;
	_ =	strace $0x9000004A  }
0x4c: {  	s0 =	sadd.s32 @!p0 $0x100000, s0;
	[bflag:$0x2] =	sbarrier.arrive $0xFFFF  }
0x4d: {  	[sflag:s0] =	ssyncadd.tile.s32 @!p0 $0x1;
	_ =	shalt  }
.Lfunc_end2:
_tile_overlayer_lowered:
.L_overlay_start_2:
0x4e: {  	(tag) =	ssettag $0x2  }
0x4f: {  	s0 =	rddreg [dreg:$0x0];
	s2 =	stileid.u32  }
0x50: {  	s1 =	rddreg [dreg:$0x1];
	p0 =	sne.s32 s2, $0x0  }
0x51: {  	s3 =	rddreg [dreg:$0x2];
	[bflag:$0x3] =	sbarrier.arrive $0xFFFF;
	s2 =	simm.s32 @!p0 $0x1C01  }
0x52: {  	[timem:s3], [sflag:s2] =	dma.local @!p0 [hbm:s0], s1  }
0x53: {  	s0 =	simm.s32 @!p0 $0x1  }
0x54: {  	_ =	swait.ge @!p0 [sflag:s0], s1  }
0x55: {  	s1 =	ssub.s32 @!p0 $0x0, s1;
	[sflag:s0] =	ssyncset.done @!p0 $0x0  }
0x56: {  	[sflag:s0] =	ssyncadd.s32 @!p0 s1  }
0x57: {  	[bflag:$0x3] =	sbarrier.arrive $0xFFFF  }
0x58: {  	_ =	shalt  }

// kernel: gather_offload_async_start
scs
__scs_entry_jumppad:
0x0: {  	(pc) =	sbr.rel $0x88, $3  }
0x1: {  	(tag) =	ssettag $0x0;
	lr =	simm.s32 $0x1  }
0x2: {  	[smem:$0x3F9A] =	sst lr;
	_ =	strace $0xD0000000  }
0x3: {  	_ = 	snop  }
0x4: {  	_ = 	snop  }
0x5: {  	_ = 	snop  }
0x6: {  	_ = 	snop  }
0x7: {  	_ = 	snop  }
__scs_overlays_trampoline_lowered:
0x8: {  	[smem:$0x3FA9] =	sst s0  }
0x9: {  	[smem:$0x3FAA] =	sst s1  }
0xa: {  	[smem:$0x3FAB] =	sst s2  }
0xb: {  	[smem:$0x3FAC] =	sst s3  }
0xc: {  	[smem:$0x3FAD] =	sst s4  }
0xd: {  	[smem:$0x3FAE] =	sst s5  }
0xe: {  	[smem:$0x3FAF] =	sst s6  }
0xf: {  	[smem:$0x3FB0] =	sst s7  }
0x10: {  	[smem:$0x3FB1] =	sst s8  }
0x11: {  	[smem:$0x3FB2] =	sst s9;
	s0 =	simm.s32 @!p0 $0x0  }
0x12: {  	s1 =	sld [smem:$0x3F98];
	s0 =	simm.s32 @p0 $0x1  }
0x13: {  	[smem:$0x3FB3] =	sst s0;
	s0 =	simm.s32 @!p1 $0x0  }
0x14: {  	s2 =	sld [smem:$0x3F97];
	s0 =	simm.s32 @p1 $0x1  }
0x15: {  	[smem:$0x3FB4] =	sst s0;
	s0 =	simm.s32 @!p2 $0x0  }
0x16: {  	s3 =	sld [smem:$0x3FDB];
	s0 =	simm.s32 @p2 $0x1  }
0x17: {  	s4 =	simm.s32 $0x1BF5;
	[smem:$0x3FB6] =	sst s0  }
0x18: {  	s0 =	sld [smem:$0x3F99];
	_ =	swait.ge [sflag:s4], $0x0  }
0x19: {  	s7 =	sld [smem:$0x3F9A]  }
0x1a: {  	s8 =	sadd.s32 $0xFFFFE003, lr  }
0x1b: {  	s9 =	sadd.s32 $0xFFFFFEF7, lr;
	s5 =	simm.s32 $0xFFFFFFFF;
	p2 =	slt.u32 s8, $0xFFFFF086  }
0x1c: {  	p1 =	slt.u32 s9, $0xF7A;
	s5 =	simm.s32 @!p2 $0x0  }
0x1d: {  	s5 =	simm.s32 @p1 $0x1;
	p0 =	seq.s32 s7, s2  }
0x1e: {  	s7 =	smul.u32 @!p0 $0xF7A, s2;
	p2 =	seq.s32 @!p0 s5, $0x0  }
0x1f: {  	s9 =	smul.u32 $0xF7A, s1;
	s8 =	simm.s32 @!p0 $0x1BF5;
	p2 =	por !p2, p0  }
0x20: {  	[sflag:s8] =	ssyncset.s32 @!p0 $0xFFFFF086;
	s6 =	sadd.s32 @!p0 s3, s7;
	s7 =	simm.s32 @!p0 $0x108  }
0x21: {  	s3 =	sadd.s32 s3, s9;
	s6 =	sadd.s32 @!p0 $0x88, s6;
	s7 =	simm.s32 @p2 $0x1082  }
0x22: {  	[simem:s7], [sflag:s8] =	dma.local @!p0 [hbm:s6], $0xF7A  }
0x23: {  	s9 =	sor.u32 $0xD0000000, s2;
	s6 =	simm.s32 $0x108;
	_ =	swait.ge @!p0 [sflag:s8], $0x0  }
0x24: {  	s3 =	sadd.s32 $0x88, s3;
	s6 =	simm.s32 @!p1 $0x1082;
	[sflag:s4] =	ssyncset.s32 $0xFFFFF086  }
0x25: {  	[simem:s6], [sflag:s4] =	dma.local [hbm:s3], $0xF7A  }
0x26: {  	[smem:$0x3F9A] =	sst s1;
	(tag) =	ssettag s2;
	_ =	strace s9  }
0x27: {  	s1 =	sld [smem:$0x3FAA]  }
0x28: {  	s2 =	sld [smem:$0x3FAB]  }
0x29: {  	s4 =	sld [smem:$0x3FAD]  }
0x2a: {  	p0 =	seq.s32 s5, $0x0;
	s5 =	sld [smem:$0x3FAE]  }
0x2b: {  	s6 =	sld [smem:$0x3FAF]  }
0x2c: {  	s7 =	sld [smem:$0x3FB0]  }
0x2d: {  	s3 =	simm.s32 $0x108;
	s8 =	sld [smem:$0x3FB1]  }
0x2e: {  	s3 =	simm.s32 @!p0 $0x1082;
	s9 =	sld [smem:$0x3FB2]  }
0x2f: {  	lr =	sadd.s32 s0, s3;
	s0 =	sld [smem:$0x3FA9]  }
0x30: {  	s3 =	sld [smem:$0x3FAC]  }
0x31: {  	[smem:$0x3FB5] =	sst s10  }
0x32: {  	s10 =	sld [smem:$0x3FB3];
	_ =	sdelay $0x3  }
0x33: {  	p0 =	seq.s32 s10, $0x1;
	s10 =	sld [smem:$0x3FB5];
	_ =	sdelay $0x3  }
0x34: {  	[smem:$0x3FB5] =	sst s10  }
0x35: {  	s10 =	sld [smem:$0x3FB4];
	_ =	sdelay $0x3  }
0x36: {  	p1 =	seq.s32 s10, $0x1;
	s10 =	sld [smem:$0x3FB5];
	_ =	sdelay $0x3  }
0x37: {  	[smem:$0x3FB5] =	sst s10  }
0x38: {  	s10 =	sld [smem:$0x3FB6]  }
0x39: {  	_ = 	snop;
	(pc) =	sbr.ind lr, $3  }
0x3a: {  	_ = 	snop  }
0x3b: {  	_ = 	snop  }
0x3c: {  	p2 =	seq.s32 s10, $0x1;
	s10 =	sld [smem:$0x3FB5]  }
0x3d: {  	_ =	shalt  }
0x3e: {  	_ =	shalt  }
0x3f: {  	_ =	shalt  }
0x40: {  	_ =	shalt  }
0x41: {  	_ =	shalt  }
0x42: {  	_ =	shalt  }
0x43: {  	_ =	shalt  }
0x44: {  	_ =	shalt  }
0x45: {  	_ =	shalt  }
0x46: {  	_ =	shalt  }
0x47: {  	_ =	shalt  }
0x48: {  	_ =	shalt  }
0x49: {  	_ =	shalt  }
0x4a: {  	_ =	shalt  }
0x4b: {  	_ =	shalt  }
0x4c: {  	_ =	shalt  }
0x4d: {  	_ =	shalt  }
0x4e: {  	_ =	shalt  }
0x4f: {  	_ =	shalt  }
0x50: {  	_ =	shalt  }
0x51: {  	_ =	shalt  }
0x52: {  	_ =	shalt  }
0x53: {  	_ =	shalt  }
0x54: {  	_ =	shalt  }
0x55: {  	_ =	shalt  }
0x56: {  	_ =	shalt  }
0x57: {  	_ =	shalt  }
0x58: {  	_ =	shalt  }
0x59: {  	_ =	shalt  }
0x5a: {  	_ =	shalt  }
0x5b: {  	_ =	shalt  }
0x5c: {  	_ =	shalt  }
0x5d: {  	_ =	shalt  }
0x5e: {  	_ =	shalt  }
0x5f: {  	_ =	shalt  }
0x60: {  	_ =	shalt  }
0x61: {  	_ =	shalt  }
0x62: {  	_ =	shalt  }
0x63: {  	_ =	shalt  }
0x64: {  	_ =	shalt  }
0x65: {  	_ =	shalt  }
0x66: {  	_ =	shalt  }
0x67: {  	_ =	shalt  }
0x68: {  	_ =	shalt  }
0x69: {  	_ =	shalt  }
0x6a: {  	_ =	shalt  }
0x6b: {  	_ =	shalt  }
0x6c: {  	_ =	shalt  }
0x6d: {  	_ =	shalt  }
0x6e: {  	_ =	shalt  }
0x6f: {  	_ =	shalt  }
0x70: {  	_ =	shalt  }
0x71: {  	_ =	shalt  }
0x72: {  	_ =	shalt  }
0x73: {  	_ =	shalt  }
0x74: {  	_ =	shalt  }
0x75: {  	_ =	shalt  }
0x76: {  	_ =	shalt  }
0x77: {  	_ =	shalt  }
0x78: {  	_ =	shalt  }
0x79: {  	_ =	shalt  }
0x7a: {  	_ =	shalt  }
0x7b: {  	_ =	shalt  }
0x7c: {  	_ =	shalt  }
0x7d: {  	_ =	shalt  }
0x7e: {  	_ =	shalt  }
0x7f: {  	_ =	shalt  }
0x80: {  	_ =	shalt  }
0x81: {  	_ =	shalt  }
0x82: {  	_ =	shalt  }
0x83: {  	_ =	shalt  }
0x84: {  	_ =	shalt  }
0x85: {  	_ =	shalt  }
0x86: {  	_ =	shalt  }
0x87: {  	_ =	shalt  }
.Lfunc_end0:
.L_simem_size_0:
called_computation_lowered:
.L_overlay_start_0:
0x88: {  	s2 =	sld [smem:$0x3FD9]  }
0x89: {  	s3 =	sld [smem:$0x3FFE];
	_ =	sdelay $0x1  }
0x8a: {  	s1 =	srdreg.scid  }
0x8b: {  	s0 =	sand.u32 $0x1, s1  }
0x8c: {  	s16 =	sshll.u32 s0, $0xA;
	s2 =	sadd.s32 s3, s2  }
0x8d: {  	s2 =	sadd.s32 s2, s16  }
0x8e: {  	[smem:$0x3FC1] =	sst s2  }
0x8f: {  	_ = 	snop  }
0x90: {  	(tm) =	ssettm $0x1  }
0x91: {  	s17 =	sld [smem:$0x3FFB];
	_ =	sdelay $0x3  }
0x92: {  	_ =	strace s17  }
0x93: {  	s2 =	sld [smem:$0x3FFC];
	_ =	sdelay $0x3  }
0x94: {  	_ =	strace s2  }
0x95: {  	s2 =	sld [smem:$0x3FFD];
	_ =	sdelay $0x3  }
0x96: {  	_ =	strace s2  }
0x97: {  	_ =	strace $0x8FFFFFFF  }
0x98: {  	s18 =	sld [smem:$0x3FDB];
	_ =	sdelay $0x1  }
0x99: {  	s19 =	simm.s32 $_scs_section_size  }
0x9a: {  	s4 =	simm.s32 $_size__tile_overlayer_lowered;
	s5 =	simm.s32 $_tile_overlayer_lowered  }
0x9b: {  	s22 =	simm.s32 $0x1BFF;
	s21 =	sshll.u32 s5, $0x1;
	s2 =	sadd.s32 s19, s18  }
0x9c: {  	s6 =	simm.s32 $0x0;
	s20 =	sshll.u32 s4, $0x1;
	s4 =	sadd.s32 s21, s2  }
0x9d: {  	[timem:s6], [sflag:s22] =	dma.local [hbm:s4], s20  }
0x9e: {  	_ =	swait.ge [sflag:s22], s20  }
0x9f: {  	s3 =	ssub.s32 $0x0, s20;
	[sflag:s22] =	ssyncset.done $0x0  }
0xa0: {  	[sflag:s22] =	ssyncadd.s32 s3;
	_ =	sdelay $0x1  }
0xa1: {  	s23 =	simm.s32 $0x1B8B  }
0xa2: {  	_ =	swait.ge [sflag:s23], $0x1  }
0xa3: {  	[sflag:s23] =	ssyncset.done $0x0  }
0xa4: {  	s25 =	simm.s32 $0x1B8E;
	s24 =	sld [smem:$0x3FFE];
	[sflag:s23] =	ssyncadd.s32 $0xFFFFFFFF  }
0xa5: {  	s26 =	simm.s32 $execute0_lowered;
	[smem:$0x3FD2] =	sst s25  }
0xa6: {  	s4 =	sshll.u32 s26, $0x1;
	_ =	strace $0x80000046;
	[dreg:$0x1] =	wrdreg $0xFFFFFFFF  }
0xa7: {  	s28 =	simm.s32 $_size_execute0_lowered;
	s2 =	sadd.s32 s2, s4;
	[dreg:$0x0] =	wrdreg $0x0  }
0xa8: {  	s4 =	sshll.u32 s28, $0x1;
	[dreg:$0x2] =	wrdreg s2  }
0xa9: {  	[dreg:$0x3] =	wrdreg s4  }
0xaa: {  	[dreg:$0x4] =	wrdreg $0xC0  }
0xab: {  	_ =	task [dreg:s6], $0x5FFFF  }
0xac: {  	[dreg:$0x1] =	wrdreg $0xFFFFFFFF  }
0xad: {  	[dreg:$0x0] =	wrdreg $0x60  }
0xae: {  	[dreg:$0x2] =	wrdreg s24  }
0xaf: {  	[dreg:$0x3] =	wrdreg $0x9  }
0xb0: {  	_ =	task.clear_ibuf [dreg:s6], $0x4FFFF;
	_ =	strace $0x90000046  }
0xb1: {  	s29 =	simm.s32 $0x9;
	_ =	strace $0x80000048  }
0xb2: {  	_ =	swait.ge [sflag:s29], $0x1  }
0xb3: {  	[sflag:s29] =	ssyncadd.s32 $0xFFFFFFFF  }
0xb4: {  	_ =	strace $0x90000048  }
0xb5: {  	_ =	sfence  }
0xb6: {  	s30 =	sld [smem:$0x0];
	_ =	sdelay $0x2  }
0xb7: {  	s31 =	sshll.u32 s1, $0xD;
	s1 =	sshrl.u32 s1, $0x2  }
0xb8: {  	s3 =	sand.u32 $0x4000, s31;
	s1 =	sadd.s32 s1, s30  }
0xb9: {  	s0 =	sor.u32 s3, s0;
	s1 =	sshll.u32 s1, $0x11  }
0xba: {  	s0 =	sor.u32 s1, s0  }
0xbb: {  	s0 =	sadd.s32 $0x8F2B, s0  }
0xbc: {  	[sflag:s0] =	ssyncadd.remote.s32 $0x1  }
0xbd: {  	_ =	sfence.sel $0xFFFF  }
0xbe: {  	[dreg:$0x0] =	wrdreg $0xFFFFFFFF;
	(pc) =	sbr.abs _section_cstart, $3  }
0xbf: {  	[dreg:$0x1] =	wrdreg $0xFFFFFFFF  }
0xc0: {  	_ =	task.clear_ibuf [dreg:s6], $0x2FFFF;
	_ =	strace $0x9FFFFFFF  }
0xc1: {  	(tm) =	ssettm $0x7FFFFFFF  }
tec
execute0_lowered:
.L_overlay_start_1:
0x0: {  	(tag) =	ssettag $0x1  }
0x1: {  	s0 =	srdreg.scid;
	s5 =	rddreg [dreg:$0x0]  }
0x2: {  	s1 =	stileid.u32;
	s6 =	simm.s32 $0x1;
	s9 =	simm.s32 $0x1  }
0x3: {  	s10 =	simm.s32 $0x3;
	s13 =	simm.s32 $0x0;
	s2 =	sshll.u32 s0, $0x8  }
0x4: {  	s12 =	simm.s32 $0x0;
	s3 =	sshll.u32 s1, $0x9;
	s2 =	sand.u32 $0x100, s2  }
0x5: {  	s0 =	rddreg [dreg:$0x1];
	_ =	strace $0x80000047;
	s2 =	sor.u32 s3, s2  }
0x6: {  	s4 =	sadd.s32 $0x600, s5;
	[sflag:s6] =	ssyncpa.u1 $0x0;
	s8 =	ssub.s32 $0x2400, s2  }
.Ltmp0:
0x7: {  	s3 =	sadd.s32 $0x1000, s5;
	s7 =	sand.u32 $0x1F00, s8;
	(pc) =	sbr.rel .LBB2_1-.Ltmp0, $4  }
0x8: {  	s5 =	sadd.s32 $0x9000, s5;
	s11 =	smov.u32 s2;
	p0 =	sne.s32 s7, $0x0  }
0x9: {  	s8 =	sshrl.u32 s8, $0xD;
	s7 =	simm.s32 $0x2;
	s9 =	simm.s32 @!p0 $0x0  }
0xa: {  	[sflag:s7] =	ssyncpa.u1 $0x0;
	p0 =	por $0x0, $0x0;
	s8 =	sadd.s32 s9, s8  }
0xb: {  	vm0 =	vmmov $0xffff;
	[sflag:s10] =	ssyncpa.u1 $0x0;
	s10 =	simm.s32 $0x0;
	s9 =	sadd.s32 $0x1, s8  }
.LBB2_4:
0xc: {  	v2 =	vnsel vm1, $0x0, v2  }
0xd: {  	vm1 =	vgt.s32 v0, $0x0;
	v2 =	vmin.u32 v2, $0x3F002  }
0xe: {  	v0 =	vnsel vm1, $0x0, v0  }
0xf: {  	v0 =	vmin.u32 v0, $0x3F002  }
0x10: {  	[tilespmem:s15], [sflag:$0x1] =	stream.indirect_vreg.gather [hbm4b:s3+s10], $0x1, v1, vm0, $0x4038;
	[tilespmem:$0x400] =	vst v63  }
0x11: {  	(ifvalue) =	ssetifvalue $0x7FFFFFFF  }
0x12: {  	[tilespmem:s16], [sflag:$0x1] =	stream.indirect_vreg.gather [hbm4b:s3+s10], $0x1, v2, vm0, $0x4038;
	[tilespmem:$0x400] =	vst v63  }
0x13: {  	s29 =	sadd.s32 $0x10, s16;
	(ifvalue) =	ssetifvalue $0x7FFFFFFF  }
0x14: {  	[tilespmem:s29], [sflag:$0x1] =	stream.indirect_vreg.gather [hbm4b:s3+s10], $0x1, v0, vm0, $0x4038;
	[tilespmem:$0x400] =	vst v63  }
0x15: {  	_ =	swait.ge [sflag:s6], $0x100  }
0x16: {  	s30 =	sshrl.u32 s13, $0x3;
	[sflag:s6] =	ssyncset.done $0x0  }
0x17: {  	s31 =	sand.u32 $0x7, s13;
	s15 =	sadd.s32 s5, s30;
	[sflag:s6] =	ssyncadd.s32 $0xFFFFFF00  }
0x18: {  	[hbm4b:s15+s31] =	stream.linear.scatter [tilespmem:s14], [sflag:$0x3], $0x100, $0x38;
	[tilespmem:$0x400] =	vst v63  }
.LBB2_5:
0x19: {  	s15 =	sadd.s32 $0x2000, s11  }
0x1a: {  	p2 =	sgt.s32 s15, $0x23FF  }
0x1b: {  	s15 =	smov.u32 @p2 s2;
	p2 =	sne.s32 s12, s9  }
.Ltmp1:
0x1c: {  	p1 =	slt.u32 s12, $0x2;
	(pc) =	sbr.rel @!p2 .LBB2_6-.Ltmp1, $4  }
0x1d: {  	s14 =	simm.s32 @!p1 $0x3  }
0x1e: {  	s16 =	sadd.s32 $0x1, s12;
	_ =	swait.ge @!p1 [sflag:s14], $0x100  }
0x1f: {  	s13 =	smov.u32 s11;
	p0 =	por !p0, !p0;
	[sflag:s14] =	ssyncset.done @!p1 $0x0  }
0x20: {  	s12 =	smov.u32 s16;
	s11 =	smov.u32 s15;
	[sflag:s14] =	ssyncadd.s32 @!p1 $0xFFFFFF00  }
.LBB2_1:
0x21: {  	p1 =	sge.u32 s12, s8  }
0x22: {  	s14 =	sxor.u32 @!p1 $0xFFFFFFFF, s12  }
0x23: {  	s31 =	sadd.s32 $0xFFFFFFFF, s12;
	s15 =	sshrl.u32 @!p1 s11, $0x3;
	s14 =	sshll.u32 @!p1 s14, $0x8  }
0x24: {  	s16 =	sand.u32 @!p1 $0x7, s11;
	s15 =	sadd.s32 @!p1 s4, s15;
	s14 =	sand.u32 @!p1 $0x100, s14  }
0x25: {  	[tilespmem:s14], [sflag:$0x2] =	stream.linear.gather @!p1 [hbm4b:s15+s16], $0x100, $0x38;
	[tilespmem:$0x400] =	vst v63  }
0x26: {  	p1 =	sge.u32 s31, s8  }
.Ltmp2:
0x27: {  	_ = 	snop;
	(pc) =	sbr.rel @p1 .LBB2_5-.Ltmp2, $1  }
0x28: {  	_ =	sdelay $0x3  }
0x29: {  	s14 =	simm.s32 $0x1  }
0x2a: {  	_ =	swait.ge [sflag:s7], $0x100;
	s14 =	simm.s32 @!p0 $0x0  }
0x2b: {  	[sflag:s7] =	ssyncset.done $0x0;
	s14 =	sshll.u32 s14, $0x8  }
0x2c: {  	[sflag:s7] =	ssyncadd.s32 $0xFFFFFF00;
	(ifvalue) =	ssetifvalue $0x7FFFFFFF;
	v0 =	vld.msk [tilespmem:s14+$0x0 ss:$0x1], $0xffff;
	_ =	sdelay $0x4  }
0x2d: {  	s15 =	sadd.s32 $0x10, s14;
	vm1 =	vgt.s32 v0, $0x0  }
0x2e: {  	v2 =	vld.msk [tilespmem:s15+$0x0 ss:$0x1], $0xffff;
	v1 =	vnsel vm1, $0x0, v0  }
0x2f: {  	v1 =	vmin.u32 v1, $0x3F002;
	_ =	sdelay $0x1  }
0x30: {  	s16 =	sshll.u32 s12, $0x8;
	s18 =	simm.s32 $0x20  }
0x31: {  	s16 =	sand.u32 $0x100, s16;
	s17 =	sadd.s32 $0x10, s15;
	s15 =	sor.u32 $0x200, s14  }
0x32: {  	s14 =	sor.u32 $0x200, s16;
	s16 =	sadd.s32 $0x10, s15;
	v0 =	vld.msk [tilespmem:s17+$0x0 ss:$0x1], $0xffff;
	vm1 =	vgt.s32 v2, $0x0;
	(ifvalue) =	ssetifvalue $0x7FFFFFFF  }
.LBB2_3:
0x33: {  	[tilespmem:s15], [sflag:$0x1] =	stream.indirect_vreg.gather [hbm4b:s3+s10], $0x1, v1, vm0, $0x4038;
	[tilespmem:$0x400] =	vst v63  }
0x34: {  	s18 =	sadd.s32 $0x10, s18  }
0x35: {  	v2 =	vnsel vm1, $0x0, v2;
	p1 =	slt.u32 s18, $0xF0  }
.Ltmp3:
0x36: {  	s15 =	smov.u32 s16;
	v1 =	vmin.u32 v2, $0x3F002;
	(pc) =	sbr.rel @p1 .LBB2_3-.Ltmp3, $3  }
0x37: {  	_ =	sdelay $0x1  }
0x38: {  	s17 =	sadd.s32 $0x10, s17  }
0x39: {  	vm1 =	vgt.s32 v0, $0x0;
	s16 =	sadd.s32 $0x10, s16;
	v2 =	vmov v0;
	(ifvalue) =	ssetifvalue $0x7FFFFFFF;
	v0 =	vld.msk [tilespmem:s17+$0x0 ss:$0x1], $0xffff  }
.Ltmp4:
0x3a: {  	_ = 	snop;
	(pc) =	sbr.rel .LBB2_4-.Ltmp4, $1  }
0x3b: {  	_ =	sdelay $0x3  }
.LBB2_6:
0x3c: {  	_ =	sfence.sel $0x180000  }
0x3d: {  	s2 =	simm.s32 $0x2;
	[bflag:$0x0] =	sbarrier.arrive $0xFFFF  }
0x3e: {  	s30 =	simm.s32 $0x3;
	[sflag:s2] =	ssyncpa.u1 $0x1  }
0x3f: {  	s31 =	simm.s32 $0x1;
	[sflag:s30] =	ssyncpa.u1 $0x1  }
0x40: {  	[sflag:s31] =	ssyncpa.u1 $0x1  }
0x41: {  	p0 =	sne.s32 s1, $0x0;
	_ =	strace $0x90000047  }
0x42: {  	s0 =	sadd.s32 @!p0 $0x100000, s0;
	[bflag:$0x2] =	sbarrier.arrive $0xFFFF  }
0x43: {  	[sflag:s0] =	ssyncadd.tile.s32 @!p0 $0x1;
	_ =	shalt  }
.Lfunc_end2:
_tile_overlayer_lowered:
.L_overlay_start_2:
0x44: {  	(tag) =	ssettag $0x2  }
0x45: {  	s0 =	rddreg [dreg:$0x0];
	s2 =	stileid.u32  }
0x46: {  	s1 =	rddreg [dreg:$0x1];
	p0 =	sne.s32 s2, $0x0  }
0x47: {  	s3 =	rddreg [dreg:$0x2];
	[bflag:$0x3] =	sbarrier.arrive $0xFFFF;
	s2 =	simm.s32 @!p0 $0x1C01  }
0x48: {  	[timem:s3], [sflag:s2] =	dma.local @!p0 [hbm:s0], s1  }
0x49: {  	s0 =	simm.s32 @!p0 $0x1  }
0x4a: {  	_ =	swait.ge @!p0 [sflag:s0], s1  }
0x4b: {  	s1 =	ssub.s32 @!p0 $0x0, s1;
	[sflag:s0] =	ssyncset.done @!p0 $0x0  }
0x4c: {  	[sflag:s0] =	ssyncadd.s32 @!p0 s1  }
0x4d: {  	[bflag:$0x3] =	sbarrier.arrive $0xFFFF  }
0x4e: {  	_ =	shalt  }

</sc_bundles>
